<compile_context>
chip_gen: v7x
topology: tpu7x:2x2x1
jax: 0.10.2.dev20260603
libtpu: 0.0.44.dev20260713+nightly
codegen_flags: <defaults>
</compile_context>

<pallas_src>
import functools

import jax
import jax.numpy as jnp
from jax import lax
from jax.experimental import pallas as pl
from jax.experimental.pallas import tpu as pltpu
from jax.experimental.pallas import tpu_sc as plsc

_INFO = plsc.get_sparse_core_info()
_NC, _NS = _INFO.num_cores, _INFO.num_subcores
_NW = _NC * _NS
_C = 4


def _sc_gather(table, idx2, N, V):
    rpw = N // _NW
    nchunk = rpw // _C
    mesh = plsc.VectorSubcoreMesh(core_axis_name="c", subcore_axis_name="s")

    @functools.partial(
        pl.kernel,
        mesh=mesh,
        out_type=jax.ShapeDtypeStruct((N, V), jnp.float32),
        scratch_types=[
            pltpu.VMEM((nchunk, _C), jnp.int32),
            pltpu.VMEM((_C, V), jnp.float32),
            pltpu.VMEM((_C, V), jnp.float32),
            pltpu.VMEM((_C, V), jnp.float32),
            pltpu.SemaphoreType.DMA,
            pltpu.SemaphoreType.DMA,
            pltpu.SemaphoreType.DMA,
            pltpu.SemaphoreType.DMA,
            pltpu.SemaphoreType.DMA,
            pltpu.SemaphoreType.DMA,
        ],
    )
    def k(table_hbm, idx2_hbm, out_hbm, idx2_v,
          buf0, buf1, buf2, g0, g1, g2, s0, s1, s2):
        wid = lax.axis_index("s") * _NC + lax.axis_index("c")
        base = wid * rpw

        pltpu.sync_copy(idx2_hbm.at[pl.ds(wid * nchunk, nchunk)], idx2_v)

        bufs = (buf0, buf1, buf2)
        gsems = (g0, g1, g2)
        ssems = (s0, s1, s2)

        def gather(k_, b):
            return pltpu.make_async_copy(
                table_hbm.at[idx2_v.at[k_]], bufs[b], gsems[b])

        def scatter(k_, b):
            return pltpu.make_async_copy(
                bufs[b], out_hbm.at[pl.ds(base + k_ * _C, _C)], ssems[b])

        gather(0, 0).start()
        gather(1, 1).start()

        def step(k_, b):
            gather(k_, b).wait()
            scatter(k_, b).start()

            @pl.when(k_ >= 1)
            def _():
                scatter(k_ - 1, (b + 2) % 3).wait()

            @pl.when(k_ + 2 < nchunk)
            def _():
                gather(k_ + 2, (b + 2) % 3).start()

        def body(it, carry):
            for b in range(3):
                step(3 * it + b, b)
            return carry

        lax.fori_loop(0, nchunk // 3, body, 0)
        step(nchunk - 1, (nchunk - 1) % 3)
        scatter(nchunk - 1, (nchunk - 1) % 3).wait()

    return k(table, idx2)


_RB = 128


def _tc_loss_body(logits_ref, tgt_ref, loss_ref):
    i = pl.program_id(0)
    n = pl.num_programs(0)

    @pl.when(i == 0)
    def _():
        loss_ref[...] = jnp.zeros_like(loss_ref)

    rows = logits_ref[...]
    s = jnp.sum(jnp.exp(rows), axis=1)
    t = tgt_ref[0].reshape(_RB, 1)
    lane = jax.lax.broadcasted_iota(jnp.int32, rows.shape, 1)
    picked = jnp.sum(jnp.where(lane == t, rows, 0.0))
    loss_ref[...] = loss_ref[...] + (jnp.sum(jnp.log(s)) - picked)

    @pl.when(i == n - 1)
    def _():
        loss_ref[...] = loss_ref[...] / (n * _RB)


def kernel(table, input_idx_arr, tgt_labels_arr):
    V = table.shape[1]
    B, T = input_idx_arr.shape
    N = B * T
    idx = input_idx_arr.reshape(N).astype(jnp.int32)
    tgt = tgt_labels_arr.reshape(N).astype(jnp.int32)

    out_flat = _sc_gather(table, idx.reshape(N // _C, _C), N, V)

    loss = pl.pallas_call(
        _tc_loss_body,
        grid=(N // _RB,),
        in_specs=[
            pl.BlockSpec((_RB, V), lambda i: (i, 0)),
            pl.BlockSpec((1, 1, _RB), lambda i: (i, 0, 0)),
        ],
        out_specs=pl.BlockSpec((1, 1), lambda i: (0, 0)),
        out_shape=jax.ShapeDtypeStruct((1, 1), jnp.float32),
    )(out_flat, tgt.reshape(N // _RB, 1, _RB))
    return out_flat.reshape(B, T, V), loss[0, 0]

# --- scband reference (transcript-rebuilt; emitter-appended) ---
"""Pipeline reference for scband-bigram-language-model-35313221108309 (READ-ONLY COPY).

The authoritative reference and input builder live on the scoring server;
editing this copy changes nothing except your own understanding.
"""

import jax, jax.numpy as jnp
import numpy as np

VOCAB = 8192
B = 16
T = 512

def setup_inputs(seed: int = 0) -> dict:
    key = jax.random.key(seed)
    k1, k2, k3 = jax.random.split(key, 3)
    # nn.Embedding default init: N(0, 1)
    table = jax.random.normal(k1, (VOCAB, VOCAB), dtype=jnp.float32)
    input_idx_arr = jax.random.randint(k2, (B, T), 0, VOCAB)
    tgt_labels_arr = jax.random.randint(k3, (B, T), 0, VOCAB)
    return {"table": table, "input_idx_arr": input_idx_arr, "tgt_labels_arr": tgt_labels_arr}

def reference(table, input_idx_arr, tgt_labels_arr):
    # embedding lookup: [B, T] -> [B, T, VOCAB]
    logits1 = jnp.take(table, input_idx_arr, axis=0)
    b, t, ch = logits1.shape
    logits1_flatten = logits1.reshape(b * t, ch)
    tgt = tgt_labels_arr.reshape(b * t)
    # F.cross_entropy: mean of -log_softmax picked at target index
    logp = jax.nn.log_softmax(logits1_flatten, axis=-1)
    picked = jnp.take_along_axis(logp, tgt[:, None], axis=1)[:, 0]
    loss1 = -jnp.mean(picked)
    return (logits1, loss1)

if __name__ == "__main__":
    import jax
    _d = setup_inputs()
    print(jax.jit(kernel)(*tuple(_d.values())))

</pallas_src>

<mosaic_0001>
#map = affine_map<(d0, d1) -> (0, 0)>
module attributes {stable_mosaic.version = 14 : i64} {
  func.func @k(%arg0: i32, %arg1: i32, %arg2: memref<8192x8192xf32, #tpu.memory_space<hbm>>, %arg3: memref<2048x4xi32, #tpu.memory_space<hbm>>, %arg4: memref<8192x8192xf32, #tpu.memory_space<hbm>>, %arg5: memref<64x4xi32, #tpu.memory_space<vmem>>, %arg6: memref<4x8192xf32, #tpu.memory_space<vmem>>, %arg7: memref<4x8192xf32, #tpu.memory_space<vmem>>, %arg8: memref<4x8192xf32, #tpu.memory_space<vmem>>, %arg9: memref<!tpu.dma_semaphore, #tpu.memory_space<semaphore_mem>>, %arg10: memref<!tpu.dma_semaphore, #tpu.memory_space<semaphore_mem>>, %arg11: memref<!tpu.dma_semaphore, #tpu.memory_space<semaphore_mem>>, %arg12: memref<!tpu.dma_semaphore, #tpu.memory_space<semaphore_mem>>, %arg13: memref<!tpu.dma_semaphore, #tpu.memory_space<semaphore_mem>>, %arg14: memref<!tpu.dma_semaphore, #tpu.memory_space<semaphore_mem>>) attributes {dimension_semantics = [#tpu.dimension_semantics<core_parallel>, #tpu.dimension_semantics<subcore_parallel>], iteration_bounds = array<i64: 2, 16>, scalar_prefetch = 0 : i64, scratch_operands = 10 : i64, tpu.core_type = #tpu.core_type<sc_vector_subcore>, window_params = [{transform_indices = #map}, {transform_indices = #map}, {transform_indices = #map}]} {
    %mul3A = arith.constant 2 : i32
    %mul3A_0 = arith.muli %arg1, %mul3A : i32
    %add3A = arith.addi %mul3A_0, %arg0 : i32
    %mul3A_1 = arith.constant 256 : i32
    %mul3A_2 = arith.muli %add3A, %mul3A_1 : i32
    %mul3A_3 = arith.constant 64 : i32
    %mul3A_4 = arith.muli %add3A, %mul3A_3 : i32
    "tpu.region"() ({
      %run_scoped3A = tpu.sem_alloc : memref<!tpu.dma_semaphore, #tpu.memory_space<semaphore_mem>>
      %dma_start3A_47 = arith.constant 0 : i32
      %dma_start3A_48 = tpu.memref_slice %arg3[%mul3A_4, %dma_start3A_47] : memref<2048x4xi32, #tpu.memory_space<hbm>> -> memref<64x4xi32, #tpu.memory_space<hbm>>
      %dma_start3A_49 = arith.constant 0 : i32
      %dma_start3A_50 = tpu.memref_slice %arg3[%mul3A_4, %dma_start3A_49] : memref<2048x4xi32, #tpu.memory_space<hbm>> -> memref<64x4xi32, #tpu.memory_space<hbm>>
      tpu.enqueue_dma source(%dma_start3A_50 : memref<64x4xi32, #tpu.memory_space<hbm>>) target(%arg5 : memref<64x4xi32, #tpu.memory_space<vmem>>) target_semaphore(%run_scoped3A : memref<!tpu.dma_semaphore, #tpu.memory_space<semaphore_mem>>)
      %dma_wait3A_51 = arith.constant 0 : i32
      %dma_wait3A_52 = tpu.memref_slice %arg3[%mul3A_4, %dma_wait3A_51] : memref<2048x4xi32, #tpu.memory_space<hbm>> -> memref<64x4xi32, #tpu.memory_space<hbm>>
      %dma_wait3A_53 = arith.constant 0 : i32
      %dma_wait3A_54 = tpu.memref_slice %arg3[%mul3A_4, %dma_wait3A_53] : memref<2048x4xi32, #tpu.memory_space<hbm>> -> memref<64x4xi32, #tpu.memory_space<hbm>>
      tpu.wait_dma2 semaphore(%run_scoped3A : memref<!tpu.dma_semaphore, #tpu.memory_space<semaphore_mem>>) src(%dma_wait3A_54 : memref<64x4xi32, #tpu.memory_space<hbm>>) dst(%arg5 : memref<64x4xi32, #tpu.memory_space<vmem>>)
      tpu.yield
    }) : () -> ()
    %dma_start3A = arith.constant 0 : i32
    %dma_start3A_5 = arith.constant 0 : i32
    %dma_start3A_6 = tpu.memref_slice %arg5[%dma_start3A, %dma_start3A_5] : memref<64x4xi32, #tpu.memory_space<vmem>> -> memref<1x4xi32, #tpu.memory_space<vmem>>
    %dma_start3A_7 = tpu.memref_squeeze %dma_start3A_6 : memref<1x4xi32, #tpu.memory_space<vmem>> -> memref<4xi32, #tpu.memory_space<vmem>>
    %dma_start3A_8 = arith.constant 0 : i32
    %dma_start3A_9 = arith.constant 0 : i32
    %dma_start3A_10 = tpu.memref_slice %arg2[%dma_start3A_8, %dma_start3A_9] : memref<8192x8192xf32, #tpu.memory_space<hbm>> -> memref<8192x8192xf32, #tpu.memory_space<hbm>>
    tpu.enqueue_indirect_dma source(%dma_start3A_10 : memref<8192x8192xf32, #tpu.memory_space<hbm>>) target(%arg6 : memref<4x8192xf32, #tpu.memory_space<vmem>>) offsets(%dma_start3A_7 : memref<4xi32, #tpu.memory_space<vmem>>) semaphore(%arg9 : memref<!tpu.dma_semaphore, #tpu.memory_space<semaphore_mem>>)
    %dma_start3A_11 = arith.constant 1 : i32
    %dma_start3A_12 = arith.constant 0 : i32
    %dma_start3A_13 = tpu.memref_slice %arg5[%dma_start3A_11, %dma_start3A_12] : memref<64x4xi32, #tpu.memory_space<vmem>> -> memref<1x4xi32, #tpu.memory_space<vmem>>
    %dma_start3A_14 = tpu.memref_squeeze %dma_start3A_13 : memref<1x4xi32, #tpu.memory_space<vmem>> -> memref<4xi32, #tpu.memory_space<vmem>>
    %dma_start3A_15 = arith.constant 0 : i32
    %dma_start3A_16 = arith.constant 0 : i32
    %dma_start3A_17 = tpu.memref_slice %arg2[%dma_start3A_15, %dma_start3A_16] : memref<8192x8192xf32, #tpu.memory_space<hbm>> -> memref<8192x8192xf32, #tpu.memory_space<hbm>>
    tpu.enqueue_indirect_dma source(%dma_start3A_17 : memref<8192x8192xf32, #tpu.memory_space<hbm>>) target(%arg7 : memref<4x8192xf32, #tpu.memory_space<vmem>>) offsets(%dma_start3A_14 : memref<4xi32, #tpu.memory_space<vmem>>) semaphore(%arg10 : memref<!tpu.dma_semaphore, #tpu.memory_space<semaphore_mem>>)
    %scan3A = arith.constant 0 : i32
    %scan3A_18 = arith.constant 0 : i32
    %scan3A_19 = arith.constant 21 : i32
    %scan3A_20 = arith.addi %scan3A_18, %scan3A_19 : i32
    %scan3A_21 = arith.constant 1 : i32
    scf.for %scan3A_47 = %scan3A_18 to %scan3A_20 step %scan3A_21  : i32 {
      %mul3A_48 = arith.constant 3 : i32
      %mul3A_49 = arith.muli %mul3A_48, %scan3A_47 : i32
      %add3A_50 = arith.constant 0 : i32
      %add3A_51 = arith.addi %mul3A_49, %add3A_50 : i32
      %dma_wait3A_52 = arith.constant 0 : i32
      %dma_wait3A_53 = tpu.memref_slice %arg5[%add3A_51, %dma_wait3A_52] : memref<64x4xi32, #tpu.memory_space<vmem>> -> memref<1x4xi32, #tpu.memory_space<vmem>>
      %dma_wait3A_54 = tpu.memref_squeeze %dma_wait3A_53 : memref<1x4xi32, #tpu.memory_space<vmem>> -> memref<4xi32, #tpu.memory_space<vmem>>
      %dma_wait3A_55 = arith.constant 0 : i32
      %dma_wait3A_56 = arith.constant 0 : i32
      %dma_wait3A_57 = tpu.memref_slice %arg2[%dma_wait3A_55, %dma_wait3A_56] : memref<8192x8192xf32, #tpu.memory_space<hbm>> -> memref<8192x8192xf32, #tpu.memory_space<hbm>>
      tpu.wait_indirect_dma semaphore(%arg9 : memref<!tpu.dma_semaphore, #tpu.memory_space<semaphore_mem>>) src(%dma_wait3A_57 : memref<8192x8192xf32, #tpu.memory_space<hbm>>) dst(%arg6 : memref<4x8192xf32, #tpu.memory_space<vmem>>)
      %mul3A_58 = arith.constant 4 : i32
      %mul3A_59 = arith.muli %add3A_51, %mul3A_58 : i32
      %add3A_60 = arith.addi %mul3A_2, %mul3A_59 : i32
      %dma_start3A_61 = arith.constant 0 : i32
      %dma_start3A_62 = tpu.memref_slice %arg4[%add3A_60, %dma_start3A_61] : memref<8192x8192xf32, #tpu.memory_space<hbm>> -> memref<4x8192xf32, #tpu.memory_space<hbm>>
      %dma_start3A_63 = arith.constant 0 : i32
      %dma_start3A_64 = tpu.memref_slice %arg4[%add3A_60, %dma_start3A_63] : memref<8192x8192xf32, #tpu.memory_space<hbm>> -> memref<4x8192xf32, #tpu.memory_space<hbm>>
      tpu.enqueue_dma source(%arg6 : memref<4x8192xf32, #tpu.memory_space<vmem>>) target(%dma_start3A_64 : memref<4x8192xf32, #tpu.memory_space<hbm>>) target_semaphore(%arg12 : memref<!tpu.dma_semaphore, #tpu.memory_space<semaphore_mem>>)
      %ge3A = arith.constant 1 : i32
      %ge3A_65 = arith.cmpi sge, %add3A_51, %ge3A : i32
      %convert_element_type3A = arith.extui %ge3A_65 : i1 to i32
      %cond3A = arith.constant 0 : i32
      %cond3A_66 = arith.cmpi ne, %convert_element_type3A, %cond3A : i32
      scf.if %cond3A_66 {
        %sub3A = arith.constant 1 : i32
        %sub3A_131 = arith.subi %add3A_51, %sub3A : i32
        %mul3A_132 = arith.constant 4 : i32
        %mul3A_133 = arith.muli %sub3A_131, %mul3A_132 : i32
        %add3A_134 = arith.addi %mul3A_2, %mul3A_133 : i32
        %dma_wait3A_135 = arith.constant 0 : i32
        %dma_wait3A_136 = tpu.memref_slice %arg4[%add3A_134, %dma_wait3A_135] : memref<8192x8192xf32, #tpu.memory_space<hbm>> -> memref<4x8192xf32, #tpu.memory_space<hbm>>
        %dma_wait3A_137 = arith.constant 0 : i32
        %dma_wait3A_138 = tpu.memref_slice %arg4[%add3A_134, %dma_wait3A_137] : memref<8192x8192xf32, #tpu.memory_space<hbm>> -> memref<4x8192xf32, #tpu.memory_space<hbm>>
        tpu.wait_dma2 semaphore(%arg14 : memref<!tpu.dma_semaphore, #tpu.memory_space<semaphore_mem>>) src(%arg8 : memref<4x8192xf32, #tpu.memory_space<vmem>>) dst(%dma_wait3A_138 : memref<4x8192xf32, #tpu.memory_space<hbm>>)
      } else {
      }
      %add3A_67 = arith.constant 2 : i32
      %add3A_68 = arith.addi %add3A_51, %add3A_67 : i32
      %lt3A = arith.constant 64 : i32
      %lt3A_69 = arith.cmpi slt, %add3A_68, %lt3A : i32
      %convert_element_type3A_70 = arith.extui %lt3A_69 : i1 to i32
      %cond3A_71 = arith.constant 0 : i32
      %cond3A_72 = arith.cmpi ne, %convert_element_type3A_70, %cond3A_71 : i32
      scf.if %cond3A_72 {
        %add3A_131 = arith.constant 2 : i32
        %add3A_132 = arith.addi %add3A_51, %add3A_131 : i32
        %dma_start3A_133 = arith.constant 0 : i32
        %dma_start3A_134 = tpu.memref_slice %arg5[%add3A_132, %dma_start3A_133] : memref<64x4xi32, #tpu.memory_space<vmem>> -> memref<1x4xi32, #tpu.memory_space<vmem>>
        %dma_start3A_135 = tpu.memref_squeeze %dma_start3A_134 : memref<1x4xi32, #tpu.memory_space<vmem>> -> memref<4xi32, #tpu.memory_space<vmem>>
        %dma_start3A_136 = arith.constant 0 : i32
        %dma_start3A_137 = arith.constant 0 : i32
        %dma_start3A_138 = tpu.memref_slice %arg2[%dma_start3A_136, %dma_start3A_137] : memref<8192x8192xf32, #tpu.memory_space<hbm>> -> memref<8192x8192xf32, #tpu.memory_space<hbm>>
        tpu.enqueue_indirect_dma source(%dma_start3A_138 : memref<8192x8192xf32, #tpu.memory_space<hbm>>) target(%arg8 : memref<4x8192xf32, #tpu.memory_space<vmem>>) offsets(%dma_start3A_135 : memref<4xi32, #tpu.memory_space<vmem>>) semaphore(%arg11 : memref<!tpu.dma_semaphore, #tpu.memory_space<semaphore_mem>>)
      } else {
      }
      %mul3A_73 = arith.constant 3 : i32
      %mul3A_74 = arith.muli %mul3A_73, %scan3A_47 : i32
      %add3A_75 = arith.constant 1 : i32
      %add3A_76 = arith.addi %mul3A_74, %add3A_75 : i32
      %dma_wait3A_77 = arith.constant 0 : i32
      %dma_wait3A_78 = tpu.memref_slice %arg5[%add3A_76, %dma_wait3A_77] : memref<64x4xi32, #tpu.memory_space<vmem>> -> memref<1x4xi32, #tpu.memory_space<vmem>>
      %dma_wait3A_79 = tpu.memref_squeeze %dma_wait3A_78 : memref<1x4xi32, #tpu.memory_space<vmem>> -> memref<4xi32, #tpu.memory_space<vmem>>
      %dma_wait3A_80 = arith.constant 0 : i32
      %dma_wait3A_81 = arith.constant 0 : i32
      %dma_wait3A_82 = tpu.memref_slice %arg2[%dma_wait3A_80, %dma_wait3A_81] : memref<8192x8192xf32, #tpu.memory_space<hbm>> -> memref<8192x8192xf32, #tpu.memory_space<hbm>>
      tpu.wait_indirect_dma semaphore(%arg10 : memref<!tpu.dma_semaphore, #tpu.memory_space<semaphore_mem>>) src(%dma_wait3A_82 : memref<8192x8192xf32, #tpu.memory_space<hbm>>) dst(%arg7 : memref<4x8192xf32, #tpu.memory_space<vmem>>)
      %mul3A_83 = arith.constant 4 : i32
      %mul3A_84 = arith.muli %add3A_76, %mul3A_83 : i32
      %add3A_85 = arith.addi %mul3A_2, %mul3A_84 : i32
      %dma_start3A_86 = arith.constant 0 : i32
      %dma_start3A_87 = tpu.memref_slice %arg4[%add3A_85, %dma_start3A_86] : memref<8192x8192xf32, #tpu.memory_space<hbm>> -> memref<4x8192xf32, #tpu.memory_space<hbm>>
      %dma_start3A_88 = arith.constant 0 : i32
      %dma_start3A_89 = tpu.memref_slice %arg4[%add3A_85, %dma_start3A_88] : memref<8192x8192xf32, #tpu.memory_space<hbm>> -> memref<4x8192xf32, #tpu.memory_space<hbm>>
      tpu.enqueue_dma source(%arg7 : memref<4x8192xf32, #tpu.memory_space<vmem>>) target(%dma_start3A_89 : memref<4x8192xf32, #tpu.memory_space<hbm>>) target_semaphore(%arg13 : memref<!tpu.dma_semaphore, #tpu.memory_space<semaphore_mem>>)
      %ge3A_90 = arith.constant 1 : i32
      %ge3A_91 = arith.cmpi sge, %add3A_76, %ge3A_90 : i32
      %convert_element_type3A_92 = arith.extui %ge3A_91 : i1 to i32
      %cond3A_93 = arith.constant 0 : i32
      %cond3A_94 = arith.cmpi ne, %convert_element_type3A_92, %cond3A_93 : i32
      scf.if %cond3A_94 {
        %sub3A = arith.constant 1 : i32
        %sub3A_131 = arith.subi %add3A_76, %sub3A : i32
        %mul3A_132 = arith.constant 4 : i32
        %mul3A_133 = arith.muli %sub3A_131, %mul3A_132 : i32
        %add3A_134 = arith.addi %mul3A_2, %mul3A_133 : i32
        %dma_wait3A_135 = arith.constant 0 : i32
        %dma_wait3A_136 = tpu.memref_slice %arg4[%add3A_134, %dma_wait3A_135] : memref<8192x8192xf32, #tpu.memory_space<hbm>> -> memref<4x8192xf32, #tpu.memory_space<hbm>>
        %dma_wait3A_137 = arith.constant 0 : i32
        %dma_wait3A_138 = tpu.memref_slice %arg4[%add3A_134, %dma_wait3A_137] : memref<8192x8192xf32, #tpu.memory_space<hbm>> -> memref<4x8192xf32, #tpu.memory_space<hbm>>
        tpu.wait_dma2 semaphore(%arg12 : memref<!tpu.dma_semaphore, #tpu.memory_space<semaphore_mem>>) src(%arg6 : memref<4x8192xf32, #tpu.memory_space<vmem>>) dst(%dma_wait3A_138 : memref<4x8192xf32, #tpu.memory_space<hbm>>)
      } else {
      }
      %add3A_95 = arith.constant 2 : i32
      %add3A_96 = arith.addi %add3A_76, %add3A_95 : i32
      %lt3A_97 = arith.constant 64 : i32
      %lt3A_98 = arith.cmpi slt, %add3A_96, %lt3A_97 : i32
      %convert_element_type3A_99 = arith.extui %lt3A_98 : i1 to i32
      %cond3A_100 = arith.constant 0 : i32
      %cond3A_101 = arith.cmpi ne, %convert_element_type3A_99, %cond3A_100 : i32
      scf.if %cond3A_101 {
        %add3A_131 = arith.constant 2 : i32
        %add3A_132 = arith.addi %add3A_76, %add3A_131 : i32
        %dma_start3A_133 = arith.constant 0 : i32
        %dma_start3A_134 = tpu.memref_slice %arg5[%add3A_132, %dma_start3A_133] : memref<64x4xi32, #tpu.memory_space<vmem>> -> memref<1x4xi32, #tpu.memory_space<vmem>>
        %dma_start3A_135 = tpu.memref_squeeze %dma_start3A_134 : memref<1x4xi32, #tpu.memory_space<vmem>> -> memref<4xi32, #tpu.memory_space<vmem>>
        %dma_start3A_136 = arith.constant 0 : i32
        %dma_start3A_137 = arith.constant 0 : i32
        %dma_start3A_138 = tpu.memref_slice %arg2[%dma_start3A_136, %dma_start3A_137] : memref<8192x8192xf32, #tpu.memory_space<hbm>> -> memref<8192x8192xf32, #tpu.memory_space<hbm>>
        tpu.enqueue_indirect_dma source(%dma_start3A_138 : memref<8192x8192xf32, #tpu.memory_space<hbm>>) target(%arg6 : memref<4x8192xf32, #tpu.memory_space<vmem>>) offsets(%dma_start3A_135 : memref<4xi32, #tpu.memory_space<vmem>>) semaphore(%arg9 : memref<!tpu.dma_semaphore, #tpu.memory_space<semaphore_mem>>)
      } else {
      }
      %mul3A_102 = arith.constant 3 : i32
      %mul3A_103 = arith.muli %mul3A_102, %scan3A_47 : i32
      %add3A_104 = arith.constant 2 : i32
      %add3A_105 = arith.addi %mul3A_103, %add3A_104 : i32
      %dma_wait3A_106 = arith.constant 0 : i32
      %dma_wait3A_107 = tpu.memref_slice %arg5[%add3A_105, %dma_wait3A_106] : memref<64x4xi32, #tpu.memory_space<vmem>> -> memref<1x4xi32, #tpu.memory_space<vmem>>
      %dma_wait3A_108 = tpu.memref_squeeze %dma_wait3A_107 : memref<1x4xi32, #tpu.memory_space<vmem>> -> memref<4xi32, #tpu.memory_space<vmem>>
      %dma_wait3A_109 = arith.constant 0 : i32
      %dma_wait3A_110 = arith.constant 0 : i32
      %dma_wait3A_111 = tpu.memref_slice %arg2[%dma_wait3A_109, %dma_wait3A_110] : memref<8192x8192xf32, #tpu.memory_space<hbm>> -> memref<8192x8192xf32, #tpu.memory_space<hbm>>
      tpu.wait_indirect_dma semaphore(%arg11 : memref<!tpu.dma_semaphore, #tpu.memory_space<semaphore_mem>>) src(%dma_wait3A_111 : memref<8192x8192xf32, #tpu.memory_space<hbm>>) dst(%arg8 : memref<4x8192xf32, #tpu.memory_space<vmem>>)
      %mul3A_112 = arith.constant 4 : i32
      %mul3A_113 = arith.muli %add3A_105, %mul3A_112 : i32
      %add3A_114 = arith.addi %mul3A_2, %mul3A_113 : i32
      %dma_start3A_115 = arith.constant 0 : i32
      %dma_start3A_116 = tpu.memref_slice %arg4[%add3A_114, %dma_start3A_115] : memref<8192x8192xf32, #tpu.memory_space<hbm>> -> memref<4x8192xf32, #tpu.memory_space<hbm>>
      %dma_start3A_117 = arith.constant 0 : i32
      %dma_start3A_118 = tpu.memref_slice %arg4[%add3A_114, %dma_start3A_117] : memref<8192x8192xf32, #tpu.memory_space<hbm>> -> memref<4x8192xf32, #tpu.memory_space<hbm>>
      tpu.enqueue_dma source(%arg8 : memref<4x8192xf32, #tpu.memory_space<vmem>>) target(%dma_start3A_118 : memref<4x8192xf32, #tpu.memory_space<hbm>>) target_semaphore(%arg14 : memref<!tpu.dma_semaphore, #tpu.memory_space<semaphore_mem>>)
      %ge3A_119 = arith.constant 1 : i32
      %ge3A_120 = arith.cmpi sge, %add3A_105, %ge3A_119 : i32
      %convert_element_type3A_121 = arith.extui %ge3A_120 : i1 to i32
      %cond3A_122 = arith.constant 0 : i32
      %cond3A_123 = arith.cmpi ne, %convert_element_type3A_121, %cond3A_122 : i32
      scf.if %cond3A_123 {
        %sub3A = arith.constant 1 : i32
        %sub3A_131 = arith.subi %add3A_105, %sub3A : i32
        %mul3A_132 = arith.constant 4 : i32
        %mul3A_133 = arith.muli %sub3A_131, %mul3A_132 : i32
        %add3A_134 = arith.addi %mul3A_2, %mul3A_133 : i32
        %dma_wait3A_135 = arith.constant 0 : i32
        %dma_wait3A_136 = tpu.memref_slice %arg4[%add3A_134, %dma_wait3A_135] : memref<8192x8192xf32, #tpu.memory_space<hbm>> -> memref<4x8192xf32, #tpu.memory_space<hbm>>
        %dma_wait3A_137 = arith.constant 0 : i32
        %dma_wait3A_138 = tpu.memref_slice %arg4[%add3A_134, %dma_wait3A_137] : memref<8192x8192xf32, #tpu.memory_space<hbm>> -> memref<4x8192xf32, #tpu.memory_space<hbm>>
        tpu.wait_dma2 semaphore(%arg13 : memref<!tpu.dma_semaphore, #tpu.memory_space<semaphore_mem>>) src(%arg7 : memref<4x8192xf32, #tpu.memory_space<vmem>>) dst(%dma_wait3A_138 : memref<4x8192xf32, #tpu.memory_space<hbm>>)
      } else {
      }
      %add3A_124 = arith.constant 2 : i32
      %add3A_125 = arith.addi %add3A_105, %add3A_124 : i32
      %lt3A_126 = arith.constant 64 : i32
      %lt3A_127 = arith.cmpi slt, %add3A_125, %lt3A_126 : i32
      %convert_element_type3A_128 = arith.extui %lt3A_127 : i1 to i32
      %cond3A_129 = arith.constant 0 : i32
      %cond3A_130 = arith.cmpi ne, %convert_element_type3A_128, %cond3A_129 : i32
      scf.if %cond3A_130 {
        %add3A_131 = arith.constant 2 : i32
        %add3A_132 = arith.addi %add3A_105, %add3A_131 : i32
        %dma_start3A_133 = arith.constant 0 : i32
        %dma_start3A_134 = tpu.memref_slice %arg5[%add3A_132, %dma_start3A_133] : memref<64x4xi32, #tpu.memory_space<vmem>> -> memref<1x4xi32, #tpu.memory_space<vmem>>
        %dma_start3A_135 = tpu.memref_squeeze %dma_start3A_134 : memref<1x4xi32, #tpu.memory_space<vmem>> -> memref<4xi32, #tpu.memory_space<vmem>>
        %dma_start3A_136 = arith.constant 0 : i32
        %dma_start3A_137 = arith.constant 0 : i32
        %dma_start3A_138 = tpu.memref_slice %arg2[%dma_start3A_136, %dma_start3A_137] : memref<8192x8192xf32, #tpu.memory_space<hbm>> -> memref<8192x8192xf32, #tpu.memory_space<hbm>>
        tpu.enqueue_indirect_dma source(%dma_start3A_138 : memref<8192x8192xf32, #tpu.memory_space<hbm>>) target(%arg7 : memref<4x8192xf32, #tpu.memory_space<vmem>>) offsets(%dma_start3A_135 : memref<4xi32, #tpu.memory_space<vmem>>) semaphore(%arg10 : memref<!tpu.dma_semaphore, #tpu.memory_space<semaphore_mem>>)
      } else {
      }
    }
    %scan3A_22 = arith.constant 21 : i32
    %dma_wait3A = arith.constant 63 : i32
    %dma_wait3A_23 = arith.constant 0 : i32
    %dma_wait3A_24 = tpu.memref_slice %arg5[%dma_wait3A, %dma_wait3A_23] : memref<64x4xi32, #tpu.memory_space<vmem>> -> memref<1x4xi32, #tpu.memory_space<vmem>>
    %dma_wait3A_25 = tpu.memref_squeeze %dma_wait3A_24 : memref<1x4xi32, #tpu.memory_space<vmem>> -> memref<4xi32, #tpu.memory_space<vmem>>
    %dma_wait3A_26 = arith.constant 0 : i32
    %dma_wait3A_27 = arith.constant 0 : i32
    %dma_wait3A_28 = tpu.memref_slice %arg2[%dma_wait3A_26, %dma_wait3A_27] : memref<8192x8192xf32, #tpu.memory_space<hbm>> -> memref<8192x8192xf32, #tpu.memory_space<hbm>>
    tpu.wait_indirect_dma semaphore(%arg9 : memref<!tpu.dma_semaphore, #tpu.memory_space<semaphore_mem>>) src(%dma_wait3A_28 : memref<8192x8192xf32, #tpu.memory_space<hbm>>) dst(%arg6 : memref<4x8192xf32, #tpu.memory_space<vmem>>)
    %add3A_29 = arith.constant 252 : i32
    %add3A_30 = arith.addi %mul3A_2, %add3A_29 : i32
    %dma_start3A_31 = arith.constant 0 : i32
    %dma_start3A_32 = tpu.memref_slice %arg4[%add3A_30, %dma_start3A_31] : memref<8192x8192xf32, #tpu.memory_space<hbm>> -> memref<4x8192xf32, #tpu.memory_space<hbm>>
    %dma_start3A_33 = arith.constant 0 : i32
    %dma_start3A_34 = tpu.memref_slice %arg4[%add3A_30, %dma_start3A_33] : memref<8192x8192xf32, #tpu.memory_space<hbm>> -> memref<4x8192xf32, #tpu.memory_space<hbm>>
    tpu.enqueue_dma source(%arg6 : memref<4x8192xf32, #tpu.memory_space<vmem>>) target(%dma_start3A_34 : memref<4x8192xf32, #tpu.memory_space<hbm>>) target_semaphore(%arg12 : memref<!tpu.dma_semaphore, #tpu.memory_space<semaphore_mem>>)
    %add3A_35 = arith.constant 248 : i32
    %add3A_36 = arith.addi %mul3A_2, %add3A_35 : i32
    %dma_wait3A_37 = arith.constant 0 : i32
    %dma_wait3A_38 = tpu.memref_slice %arg4[%add3A_36, %dma_wait3A_37] : memref<8192x8192xf32, #tpu.memory_space<hbm>> -> memref<4x8192xf32, #tpu.memory_space<hbm>>
    %dma_wait3A_39 = arith.constant 0 : i32
    %dma_wait3A_40 = tpu.memref_slice %arg4[%add3A_36, %dma_wait3A_39] : memref<8192x8192xf32, #tpu.memory_space<hbm>> -> memref<4x8192xf32, #tpu.memory_space<hbm>>
    tpu.wait_dma2 semaphore(%arg14 : memref<!tpu.dma_semaphore, #tpu.memory_space<semaphore_mem>>) src(%arg8 : memref<4x8192xf32, #tpu.memory_space<vmem>>) dst(%dma_wait3A_40 : memref<4x8192xf32, #tpu.memory_space<hbm>>)
    %add3A_41 = arith.constant 252 : i32
    %add3A_42 = arith.addi %mul3A_2, %add3A_41 : i32
    %dma_wait3A_43 = arith.constant 0 : i32
    %dma_wait3A_44 = tpu.memref_slice %arg4[%add3A_42, %dma_wait3A_43] : memref<8192x8192xf32, #tpu.memory_space<hbm>> -> memref<4x8192xf32, #tpu.memory_space<hbm>>
    %dma_wait3A_45 = arith.constant 0 : i32
    %dma_wait3A_46 = tpu.memref_slice %arg4[%add3A_42, %dma_wait3A_45] : memref<8192x8192xf32, #tpu.memory_space<hbm>> -> memref<4x8192xf32, #tpu.memory_space<hbm>>
    tpu.wait_dma2 semaphore(%arg12 : memref<!tpu.dma_semaphore, #tpu.memory_space<semaphore_mem>>) src(%arg6 : memref<4x8192xf32, #tpu.memory_space<vmem>>) dst(%dma_wait3A_46 : memref<4x8192xf32, #tpu.memory_space<hbm>>)
    return
  }
}

module attributes {stable_mosaic.version = 14 : i64} {
  func.func @_tc_loss_body(%arg0: i32, %arg1: memref<128x8192xf32, #tpu.memory_space<vmem>>, %arg2: memref<1x1x128xi32, #tpu.memory_space<vmem>>, %arg3: memref<1x1xf32, #tpu.memory_space<vmem>>) attributes {dimension_semantics = [#tpu.dimension_semantics<arbitrary>], iteration_bounds = array<i64: 64>, scalar_prefetch = 0 : i64, scratch_operands = 0 : i64, tpu.core_type = #tpu.core_type<tc>, window_params = [{transform_indices = @transform_0, window_bounds = array<i64: 128, 8192>}, {transform_indices = @transform_1, window_bounds = array<i64: 1, 1, 128>}, {pipeline_mode = #tpu.pipeline_mode<synchronous>, transform_indices = @transform_2, window_bounds = array<i64: 1, 1>}]} {
    %eq3A = arith.constant 0 : i32
    %eq3A_0 = arith.cmpi eq, %arg0, %eq3A : i32
    %convert_element_type3A = arith.extui %eq3A_0 : i1 to i32
    %cond3A = arith.constant 0 : i32
    %cond3A_1 = arith.cmpi ne, %convert_element_type3A, %cond3A : i32
    scf.if %cond3A_1 {
      %broadcast_in_dim3A_33 = arith.constant 0.000000e+00 : f32
      %broadcast_in_dim3A_34 = vector.broadcast %broadcast_in_dim3A_33 : f32 to vector<1x1xf32>
      %swap3A_35 = arith.constant 0 : index
      %swap3A_36 = arith.constant 0 : index
      %swap3A_37 = vector.load %arg3[%swap3A_35, %swap3A_36] : memref<1x1xf32, #tpu.memory_space<vmem>>, vector<1x1xf32>
      tpu.vector_store %arg3[%swap3A_35, %swap3A_36], %broadcast_in_dim3A_34 {strides = array<i32>} : memref<1x1xf32, #tpu.memory_space<vmem>>, vector<1x1xf32>,
    } else {
    }
    %get3A = arith.constant 0 : index
    %get3A_2 = arith.constant 0 : index
    %get3A_3 = vector.load %arg1[%get3A, %get3A_2] : memref<128x8192xf32, #tpu.memory_space<vmem>>, vector<128x8192xf32>
    %exp3A = math.exp %get3A_3 : vector<128x8192xf32>
    %reduce_sum3A = arith.constant dense<0.000000e+00> : vector<128xf32>
    %reduce_sum3A_4 = vector.multi_reduction <add>, %exp3A, %reduce_sum3A [1] : vector<128x8192xf32> to vector<128xf32>
    %get3A_5 = arith.constant 0 : index
    %get3A_6 = arith.constant 0 : index
    %get3A_7 = arith.constant 0 : index
    %get3A_8 = vector.load %arg2[%get3A_5, %get3A_6, %get3A_7] : memref<1x1x128xi32, #tpu.memory_space<vmem>>, vector<1x1x128xi32>
    %get3A_9 = vector.shape_cast %get3A_8 : vector<1x1x128xi32> to vector<1x128xi32>
    %reshape3A = vector.shape_cast %get3A_9 : vector<1x128xi32> to vector<128x1xi32>
    %iota3A = tpu.iota {dimensions = array<i32: 1>} : vector<128x8192xi32>
    %eq3A_10 = vector.broadcast %reshape3A : vector<128x1xi32> to vector<128x8192xi32>
    %eq3A_11 = arith.cmpi eq, %iota3A, %eq3A_10 : vector<128x8192xi32>
    %jit3A = arith.constant 0.000000e+00 : f32
    %broadcast_in_dim3A = vector.broadcast %jit3A : f32 to vector<128x8192xf32>
    %select_n3A = arith.select %eq3A_11, %get3A_3, %broadcast_in_dim3A : vector<128x8192xi1>, vector<128x8192xf32>
    %reduce_sum3A_12 = vector.shape_cast %select_n3A : vector<128x8192xf32> to vector<1x128x8192xf32>
    %reduce_sum3A_13 = arith.constant dense<0.000000e+00> : vector<1xf32>
    %reduce_sum3A_14 = vector.multi_reduction <add>, %reduce_sum3A_12, %reduce_sum3A_13 [1, 2] : vector<1x128x8192xf32> to vector<1xf32>
    %reduce_sum3A_15 = vector.shape_cast %reduce_sum3A_14 : vector<1xf32> to vector<1x1x1xf32>
    %reduce_sum3A_16 = vector.extract %reduce_sum3A_15[0, 0, 0] : f32 from vector<1x1x1xf32>
    %get3A_17 = arith.constant 0 : index
    %get3A_18 = arith.constant 0 : index
    %get3A_19 = vector.load %arg3[%get3A_17, %get3A_18] : memref<1x1xf32, #tpu.memory_space<vmem>>, vector<1x1xf32>
    %log3A = math.log %reduce_sum3A_4 : vector<128xf32>
    %reduce_sum3A_20 = vector.shape_cast %log3A : vector<128xf32> to vector<1x128xf32>
    %reduce_sum3A_21 = arith.constant dense<0.000000e+00> : vector<1xf32>
    %reduce_sum3A_22 = vector.multi_reduction <add>, %reduce_sum3A_20, %reduce_sum3A_21 [1] : vector<1x128xf32> to vector<1xf32>
    %reduce_sum3A_23 = vector.shape_cast %reduce_sum3A_22 : vector<1xf32> to vector<1x1xf32>
    %reduce_sum3A_24 = vector.extract %reduce_sum3A_23[0, 0] : f32 from vector<1x1xf32>
    %sub3A = arith.subf %reduce_sum3A_24, %reduce_sum3A_16 : f32
    %add3A = vector.broadcast %sub3A : f32 to vector<1x1xf32>
    %add3A_25 = arith.addf %get3A_19, %add3A : vector<1x1xf32>
    %swap3A = arith.constant 0 : index
    %swap3A_26 = arith.constant 0 : index
    %swap3A_27 = vector.load %arg3[%swap3A, %swap3A_26] : memref<1x1xf32, #tpu.memory_space<vmem>>, vector<1x1xf32>
    tpu.vector_store %arg3[%swap3A, %swap3A_26], %add3A_25 {strides = array<i32>} : memref<1x1xf32, #tpu.memory_space<vmem>>, vector<1x1xf32>,
    %eq3A_28 = arith.constant 63 : i32
    %eq3A_29 = arith.cmpi eq, %arg0, %eq3A_28 : i32
    %convert_element_type3A_30 = arith.extui %eq3A_29 : i1 to i32
    %cond3A_31 = arith.constant 0 : i32
    %cond3A_32 = arith.cmpi ne, %convert_element_type3A_30, %cond3A_31 : i32
    scf.if %cond3A_32 {
      %get3A_33 = arith.constant 0 : index
      %get3A_34 = arith.constant 0 : index
      %get3A_35 = vector.load %arg3[%get3A_33, %get3A_34] : memref<1x1xf32, #tpu.memory_space<vmem>>, vector<1x1xf32>
      %div3A = arith.constant 8.192000e+03 : f32
      %div3A_36 = vector.broadcast %div3A : f32 to vector<1x1xf32>
      %div3A_37 = arith.divf %get3A_35, %div3A_36 : vector<1x1xf32>
      %swap3A_38 = arith.constant 0 : index
      %swap3A_39 = arith.constant 0 : index
      %swap3A_40 = vector.load %arg3[%swap3A_38, %swap3A_39] : memref<1x1xf32, #tpu.memory_space<vmem>>, vector<1x1xf32>
      tpu.vector_store %arg3[%swap3A_38, %swap3A_39], %div3A_37 {strides = array<i32>} : memref<1x1xf32, #tpu.memory_space<vmem>>, vector<1x1xf32>,
    } else {
    }
    return
  }
  func.func @transform_0(%arg0: i32) -> (i32, i32) {
    %c0_i32 = arith.constant 0 : i32
    %c0_i32_0 = arith.constant 0 : i32
    return %arg0, %c0_i32 : i32, i32
  }
  func.func @transform_1(%arg0: i32) -> (i32, i32, i32) {
    %c0_i32 = arith.constant 0 : i32
    %c0_i32_0 = arith.constant 0 : i32
    %c0_i32_1 = arith.constant 0 : i32
    return %arg0, %c0_i32, %c0_i32_0 : i32, i32, i32
  }
  func.func @transform_2(%arg0: i32) -> (i32, i32) {
    %c0_i32 = arith.constant 0 : i32
    %c0_i32_0 = arith.constant 0 : i32
    %c0_i32_1 = arith.constant 0 : i32
    return %c0_i32, %c0_i32_0 : i32, i32
  }
}

</mosaic_0001>

<sc_bundles>
// kernel: kernel.4.cloned.1.call-start
scs
__scs_entry_jumppad:
0x0: {  	(pc) =	sbr.rel $0x88, $3  }
0x1: {  	(tag) =	ssettag $0x0;
	lr =	simm.s32 $0x1  }
0x2: {  	[smem:$0x3F9E] =	sst lr;
	_ =	strace $0xD0000000  }
0x3: {  	_ = 	snop  }
0x4: {  	_ = 	snop  }
0x5: {  	_ = 	snop  }
0x6: {  	_ = 	snop  }
0x7: {  	_ = 	snop  }
__scs_overlays_trampoline_lowered:
0x8: {  	[smem:$0x3FAD] =	sst s0  }
0x9: {  	[smem:$0x3FAE] =	sst s1  }
0xa: {  	[smem:$0x3FAF] =	sst s2  }
0xb: {  	[smem:$0x3FB0] =	sst s3  }
0xc: {  	[smem:$0x3FB1] =	sst s4  }
0xd: {  	[smem:$0x3FB2] =	sst s5  }
0xe: {  	[smem:$0x3FB3] =	sst s6  }
0xf: {  	[smem:$0x3FB4] =	sst s7  }
0x10: {  	[smem:$0x3FB5] =	sst s8  }
0x11: {  	[smem:$0x3FB6] =	sst s9;
	s0 =	simm.s32 @!p0 $0x0  }
0x12: {  	s1 =	sld [smem:$0x3F9C];
	s0 =	simm.s32 @p0 $0x1  }
0x13: {  	[smem:$0x3FB7] =	sst s0;
	s0 =	simm.s32 @!p1 $0x0  }
0x14: {  	s2 =	sld [smem:$0x3F9B];
	s0 =	simm.s32 @p1 $0x1  }
0x15: {  	[smem:$0x3FB8] =	sst s0;
	s0 =	simm.s32 @!p2 $0x0  }
0x16: {  	s3 =	sld [smem:$0x3FDB];
	s0 =	simm.s32 @p2 $0x1  }
0x17: {  	s4 =	simm.s32 $0x1BF5;
	[smem:$0x3FBA] =	sst s0  }
0x18: {  	s0 =	sld [smem:$0x3F9D];
	_ =	swait.ge [sflag:s4], $0x0  }
0x19: {  	s7 =	sld [smem:$0x3F9E]  }
0x1a: {  	s8 =	sadd.s32 $0xFFFFE003, lr  }
0x1b: {  	s9 =	sadd.s32 $0xFFFFFEF7, lr;
	s5 =	simm.s32 $0xFFFFFFFF;
	p2 =	slt.u32 s8, $0xFFFFF086  }
0x1c: {  	p1 =	slt.u32 s9, $0xF7A;
	s5 =	simm.s32 @!p2 $0x0  }
0x1d: {  	s5 =	simm.s32 @p1 $0x1;
	p0 =	seq.s32 s7, s2  }
0x1e: {  	s7 =	smul.u32 @!p0 $0xF7A, s2;
	p2 =	seq.s32 @!p0 s5, $0x0  }
0x1f: {  	s9 =	smul.u32 $0xF7A, s1;
	s8 =	simm.s32 @!p0 $0x1BF5;
	p2 =	por !p2, p0  }
0x20: {  	[sflag:s8] =	ssyncset.s32 @!p0 $0xFFFFF086;
	s6 =	sadd.s32 @!p0 s3, s7;
	s7 =	simm.s32 @!p0 $0x108  }
0x21: {  	s3 =	sadd.s32 s3, s9;
	s6 =	sadd.s32 @!p0 $0x88, s6;
	s7 =	simm.s32 @p2 $0x1082  }
0x22: {  	[simem:s7], [sflag:s8] =	dma.local @!p0 [hbm:s6], $0xF7A  }
0x23: {  	s9 =	sor.u32 $0xD0000000, s2;
	s6 =	simm.s32 $0x108;
	_ =	swait.ge @!p0 [sflag:s8], $0x0  }
0x24: {  	s3 =	sadd.s32 $0x88, s3;
	s6 =	simm.s32 @!p1 $0x1082;
	[sflag:s4] =	ssyncset.s32 $0xFFFFF086  }
0x25: {  	[simem:s6], [sflag:s4] =	dma.local [hbm:s3], $0xF7A  }
0x26: {  	[smem:$0x3F9E] =	sst s1;
	(tag) =	ssettag s2;
	_ =	strace s9  }
0x27: {  	s1 =	sld [smem:$0x3FAE]  }
0x28: {  	s2 =	sld [smem:$0x3FAF]  }
0x29: {  	s4 =	sld [smem:$0x3FB1]  }
0x2a: {  	p0 =	seq.s32 s5, $0x0;
	s5 =	sld [smem:$0x3FB2]  }
0x2b: {  	s6 =	sld [smem:$0x3FB3]  }
0x2c: {  	s7 =	sld [smem:$0x3FB4]  }
0x2d: {  	s3 =	simm.s32 $0x108;
	s8 =	sld [smem:$0x3FB5]  }
0x2e: {  	s3 =	simm.s32 @!p0 $0x1082;
	s9 =	sld [smem:$0x3FB6]  }
0x2f: {  	lr =	sadd.s32 s0, s3;
	s0 =	sld [smem:$0x3FAD]  }
0x30: {  	s3 =	sld [smem:$0x3FB0]  }
0x31: {  	[smem:$0x3FB9] =	sst s10  }
0x32: {  	s10 =	sld [smem:$0x3FB7];
	_ =	sdelay $0x3  }
0x33: {  	p0 =	seq.s32 s10, $0x1;
	s10 =	sld [smem:$0x3FB9];
	_ =	sdelay $0x3  }
0x34: {  	[smem:$0x3FB9] =	sst s10  }
0x35: {  	s10 =	sld [smem:$0x3FB8];
	_ =	sdelay $0x3  }
0x36: {  	p1 =	seq.s32 s10, $0x1;
	s10 =	sld [smem:$0x3FB9];
	_ =	sdelay $0x3  }
0x37: {  	[smem:$0x3FB9] =	sst s10  }
0x38: {  	s10 =	sld [smem:$0x3FBA]  }
0x39: {  	_ = 	snop;
	(pc) =	sbr.ind lr, $3  }
0x3a: {  	_ = 	snop  }
0x3b: {  	_ = 	snop  }
0x3c: {  	p2 =	seq.s32 s10, $0x1;
	s10 =	sld [smem:$0x3FB9]  }
0x3d: {  	_ =	shalt  }
0x3e: {  	_ =	shalt  }
0x3f: {  	_ =	shalt  }
0x40: {  	_ =	shalt  }
0x41: {  	_ =	shalt  }
0x42: {  	_ =	shalt  }
0x43: {  	_ =	shalt  }
0x44: {  	_ =	shalt  }
0x45: {  	_ =	shalt  }
0x46: {  	_ =	shalt  }
0x47: {  	_ =	shalt  }
0x48: {  	_ =	shalt  }
0x49: {  	_ =	shalt  }
0x4a: {  	_ =	shalt  }
0x4b: {  	_ =	shalt  }
0x4c: {  	_ =	shalt  }
0x4d: {  	_ =	shalt  }
0x4e: {  	_ =	shalt  }
0x4f: {  	_ =	shalt  }
0x50: {  	_ =	shalt  }
0x51: {  	_ =	shalt  }
0x52: {  	_ =	shalt  }
0x53: {  	_ =	shalt  }
0x54: {  	_ =	shalt  }
0x55: {  	_ =	shalt  }
0x56: {  	_ =	shalt  }
0x57: {  	_ =	shalt  }
0x58: {  	_ =	shalt  }
0x59: {  	_ =	shalt  }
0x5a: {  	_ =	shalt  }
0x5b: {  	_ =	shalt  }
0x5c: {  	_ =	shalt  }
0x5d: {  	_ =	shalt  }
0x5e: {  	_ =	shalt  }
0x5f: {  	_ =	shalt  }
0x60: {  	_ =	shalt  }
0x61: {  	_ =	shalt  }
0x62: {  	_ =	shalt  }
0x63: {  	_ =	shalt  }
0x64: {  	_ =	shalt  }
0x65: {  	_ =	shalt  }
0x66: {  	_ =	shalt  }
0x67: {  	_ =	shalt  }
0x68: {  	_ =	shalt  }
0x69: {  	_ =	shalt  }
0x6a: {  	_ =	shalt  }
0x6b: {  	_ =	shalt  }
0x6c: {  	_ =	shalt  }
0x6d: {  	_ =	shalt  }
0x6e: {  	_ =	shalt  }
0x6f: {  	_ =	shalt  }
0x70: {  	_ =	shalt  }
0x71: {  	_ =	shalt  }
0x72: {  	_ =	shalt  }
0x73: {  	_ =	shalt  }
0x74: {  	_ =	shalt  }
0x75: {  	_ =	shalt  }
0x76: {  	_ =	shalt  }
0x77: {  	_ =	shalt  }
0x78: {  	_ =	shalt  }
0x79: {  	_ =	shalt  }
0x7a: {  	_ =	shalt  }
0x7b: {  	_ =	shalt  }
0x7c: {  	_ =	shalt  }
0x7d: {  	_ =	shalt  }
0x7e: {  	_ =	shalt  }
0x7f: {  	_ =	shalt  }
0x80: {  	_ =	shalt  }
0x81: {  	_ =	shalt  }
0x82: {  	_ =	shalt  }
0x83: {  	_ =	shalt  }
0x84: {  	_ =	shalt  }
0x85: {  	_ =	shalt  }
0x86: {  	_ =	shalt  }
0x87: {  	_ =	shalt  }
.Lfunc_end0:
.L_simem_size_0:
called_computation_lowered:
.L_overlay_start_0:
0x88: {  	s2 =	sld [smem:$0x3FD9]  }
0x89: {  	s3 =	sld [smem:$0x3FFE];
	_ =	sdelay $0x1  }
0x8a: {  	s1 =	srdreg.scid  }
0x8b: {  	s0 =	sand.u32 $0x1, s1  }
0x8c: {  	s14 =	sshll.u32 s0, $0xA;
	s2 =	sadd.s32 s3, s2  }
0x8d: {  	s2 =	sadd.s32 s2, s14  }
0x8e: {  	[smem:$0x3FC5] =	sst s2  }
0x8f: {  	_ = 	snop  }
0x90: {  	s2 =	sld [smem:$0x3FD0];
	_ =	sdelay $0x2  }
0x91: {  	s4 =	simm.s32 $0xA;
	s5 =	simm.s32 $0x10;
	s15 =	sld [smem:$0x3FC9]  }
0x92: {  	[smem:s5], [sflag:s4] =	dma.local [hbm:s2], $0x1  }
0x93: {  	_ =	swait.eq [sflag:s4], $0x1  }
0x94: {  	[sflag:s4] =	ssyncset.done $0x0  }
0x95: {  	[sflag:s4] =	ssyncadd.s32 $0xFFFFFFFF  }
0x96: {  	s16 =	sld [smem:$0x10];
	(tm) =	ssettm $0x1  }
0x97: {  	s17 =	sld [smem:$0x3FFB];
	_ =	sdelay $0x3  }
0x98: {  	_ =	strace s17  }
0x99: {  	s4 =	sld [smem:$0x3FFC];
	_ =	sdelay $0x3  }
0x9a: {  	_ =	strace s4  }
0x9b: {  	s4 =	sld [smem:$0x3FFD];
	_ =	sdelay $0x3  }
0x9c: {  	_ =	strace s4  }
0x9d: {  	_ =	strace $0x8FFFFFFF  }
0x9e: {  	s18 =	sld [smem:$0x3FDB];
	_ =	sdelay $0x1  }
0x9f: {  	s19 =	simm.s32 $_scs_section_size  }
0xa0: {  	s6 =	simm.s32 $_size__tile_overlayer_lowered;
	s7 =	simm.s32 $_tile_overlayer_lowered  }
0xa1: {  	s22 =	simm.s32 $0x1BFF;
	s21 =	sshll.u32 s7, $0x1;
	s4 =	sadd.s32 s19, s18  }
0xa2: {  	s8 =	simm.s32 $0x0;
	s20 =	sshll.u32 s6, $0x1;
	s6 =	sadd.s32 s21, s4  }
0xa3: {  	[timem:s8], [sflag:s22] =	dma.local [hbm:s6], s20  }
0xa4: {  	_ =	swait.ge [sflag:s22], s20  }
0xa5: {  	s5 =	ssub.s32 $0x0, s20;
	[sflag:s22] =	ssyncset.done $0x0  }
0xa6: {  	[sflag:s22] =	ssyncadd.s32 s5;
	_ =	sdelay $0x1  }
0xa7: {  	s23 =	simm.s32 $0x1B8B  }
0xa8: {  	_ =	swait.ge [sflag:s23], $0x1  }
0xa9: {  	[sflag:s23] =	ssyncset.done $0x0  }
0xaa: {  	s25 =	simm.s32 $0x1B8E;
	s24 =	sld [smem:$0x3FFE];
	[sflag:s23] =	ssyncadd.s32 $0xFFFFFFFF  }
0xab: {  	s26 =	simm.s32 $execute0_lowered;
	[smem:$0x3FD2] =	sst s25  }
0xac: {  	s6 =	sshll.u32 s26, $0x1;
	_ =	strace $0x80000046;
	[dreg:$0x1] =	wrdreg $0xFFFFFFFF  }
0xad: {  	s28 =	simm.s32 $_size_execute0_lowered;
	s4 =	sadd.s32 s4, s6;
	[dreg:$0x0] =	wrdreg $0x0  }
0xae: {  	s6 =	sshll.u32 s28, $0x1;
	[dreg:$0x2] =	wrdreg s4  }
0xaf: {  	[dreg:$0x3] =	wrdreg s6  }
0xb0: {  	[dreg:$0x4] =	wrdreg $0xC0  }
0xb1: {  	_ =	task [dreg:s8], $0x5FFFF  }
0xb2: {  	[dreg:$0x1] =	wrdreg $0xFFFFFFFF  }
0xb3: {  	[dreg:$0x0] =	wrdreg $0x60  }
0xb4: {  	[dreg:$0x2] =	wrdreg s15  }
0xb5: {  	[dreg:$0x3] =	wrdreg s24  }
0xb6: {  	[dreg:$0x4] =	wrdreg s16  }
0xb7: {  	[dreg:$0x5] =	wrdreg $0x9  }
0xb8: {  	_ =	task.clear_ibuf [dreg:s8], $0x6FFFF;
	_ =	strace $0x90000046  }
0xb9: {  	s29 =	simm.s32 $0x9;
	_ =	strace $0x80000048  }
0xba: {  	_ =	swait.ge [sflag:s29], $0x1  }
0xbb: {  	[sflag:s29] =	ssyncadd.s32 $0xFFFFFFFF  }
0xbc: {  	_ =	strace $0x90000048  }
0xbd: {  	_ =	sfence  }
0xbe: {  	s30 =	sld [smem:$0x0];
	_ =	sdelay $0x2  }
0xbf: {  	s31 =	sshll.u32 s1, $0xD;
	s1 =	sshrl.u32 s1, $0x2  }
0xc0: {  	s3 =	sand.u32 $0x4000, s31;
	s1 =	sadd.s32 s1, s30  }
0xc1: {  	s0 =	sor.u32 s3, s0;
	s1 =	sshll.u32 s1, $0x11  }
0xc2: {  	s0 =	sor.u32 s1, s0  }
0xc3: {  	s0 =	sadd.s32 $0x8F2B, s0  }
0xc4: {  	[sflag:s0] =	ssyncadd.remote.s32 $0x1  }
0xc5: {  	_ =	sfence.sel $0xFFFF  }
0xc6: {  	[dreg:$0x0] =	wrdreg $0xFFFFFFFF;
	(pc) =	sbr.abs _section_cstart, $3  }
0xc7: {  	[dreg:$0x1] =	wrdreg $0xFFFFFFFF  }
0xc8: {  	_ =	task.clear_ibuf [dreg:s8], $0x2FFFF;
	_ =	strace $0x9FFFFFFF  }
0xc9: {  	(tm) =	ssettm $0x7FFFFFFF  }
tec
execute0_lowered:
.L_overlay_start_1:
0x0: {  	(tag) =	ssettag $0x1  }
0x1: {  	s21 =	rddreg [dreg:$0x0]  }
0x2: {  	s0 =	rddreg [dreg:$0x1]  }
0x3: {  	s22 =	rddreg [dreg:$0x2]  }
0x4: {  	s1 =	srdreg.scid;
	s2 =	stileid.u32  }
0x5: {  	s4 =	simm.s32 $0x0;
	s26 =	simm.s32 $0x400;
	s1 =	sand.u32 $0x1, s1  }
0x6: {  	s3 =	sshll.u32 s2, $0x1;
	[smem:$0x7FF] =	sst s4;
	s8 =	sadd.s32 $0x600, s21  }
0x7: {  	s9 =	sadd.s32 $0x800, s21;
	s10 =	sadd.s32 $0xA00, s21;
	s11 =	sadd.s32 $0xC00, s21  }
0x8: {  	s12 =	sadd.s32 $0xE00, s21;
	s13 =	sadd.s32 $0x1000, s21;
	s14 =	sadd.s32 $0x1200, s21  }
0x9: {  	s15 =	sadd.s32 $0x1400, s21;
	s16 =	sadd.s32 $0x1600, s21;
	s17 =	sadd.s32 $0x1800, s21  }
0xa: {  	s18 =	sadd.s32 $0x1A00, s21;
	s19 =	sadd.s32 $0x1C00, s21;
	s20 =	sadd.s32 $0x1E00, s21  }
0xb: {  	s30 =	sshll.u32 s2, $0x13;
	s2 =	smov.u32 s21;
	s3 =	sor.u32 s1, s3  }
0xc: {  	s5 =	ssub.s32 $0x2, s1;
	_ =	strace $0x80000047;
	s1 =	sshll.u32 s1, $0x12  }
0xd: {  	s6 =	sshll.u32 s3, $0xA;
	s7 =	sshrl.u32 s5, $0x1;
	s29 =	sshll.u32 s3, $0x12  }
0xe: {  	s3 =	simm.s32 $0x2000;
	s0 =	sadd.s32 s6, s0;
	s5 =	ssub.s32 s5, s7  }
.Ltmp0:
0xf: {  	s6 =	sadd.s32 $0x200, s21;
	s0 =	sadd.s32 $0x600, s0;
	(pc) =	sbr.rel .LBB2_1-.Ltmp0, $4  }
0x10: {  	s31 =	smax.u32 s5, $0x1;
	[dreg:$0x4] =	wrdreg s0;
	s0 =	sadd.s32 s29, s22  }
0x11: {  	v0 =	vlaneseq.u32;
	s7 =	sadd.s32 $0x400, s21;
	[dreg:$0x6] =	wrdreg s31;
	s0 =	sadd.s32 $0x3E040, s0  }
0x12: {  	v1 =	vshrl.u32 v0, $0x2;
	s21 =	simm.s32 $0x0;
	[dreg:$0x5] =	wrdreg s0;
	s0 =	sor.u32 s1, s30  }
0x13: {  	vm0 =	vmmov $0xffff;
	v0 =	vand.u32 $0x3, v0;
	v1 =	vmul.u32 $0x8, v1;
	s5 =	simm.s32 $0xA000;
	s22 =	simm.s32 $0x200;
	[dreg:$0x7] =	wrdreg s0  }
.LBB2_4:
0x14: {  	s0 =	simm.s32 $0x1  }
0x15: {  	_ =	swait.ge [sflag:s0], $0x8000  }
0x16: {  	s3 =	simm.s32 $0x2000;
	[sflag:s0] =	ssyncset.done $0x0  }
0x17: {  	s29 =	simm.s32 $0x6;
	s2 =	rddreg [dreg:$0x5];
	[sflag:s0] =	ssyncadd.s32 $0xFFFF8000  }
0x18: {  	[hbm4b:s2+s24] =	stream.strided.scatter [tilespmem:s3], [sflag:$0x4], $0x8000, s25, s24, $0x38;
	[tilespmem:$0x1A000] =	vst v63  }
0x19: {  	_ =	swait.ge [sflag:s29], $0x8000  }
0x1a: {  	[sflag:s29] =	ssyncset.done $0x0  }
0x1b: {  	s30 =	simm.s32 $0x4;
	[sflag:s29] =	ssyncadd.s32 $0xFFFF8000  }
0x1c: {  	_ =	swait.ge [sflag:s30], $0x8000  }
0x1d: {  	s21 =	rddreg [dreg:$0x8]  }
0x1e: {  	s31 =	rddreg [dreg:$0x6];
	s21 =	sadd.s32 $0x1, s21  }
0x1f: {  	p0 =	sne.s32 s21, s31  }
.Ltmp1:
0x20: {  	_ = 	snop;
	(pc) =	sbr.rel @!p0 .LBB2_5-.Ltmp1, $3  }
0x21: {  	_ =	sdelay $0x1  }
0x22: {  	[sflag:s30] =	ssyncset.done $0x0  }
0x23: {  	s2 =	smov.u32 s1;
	[sflag:s30] =	ssyncadd.s32 $0xFFFF8000  }
.LBB2_1:
0x24: {  	[dreg:$0x8] =	wrdreg s21  }
0x25: {  	s1 =	rddreg [dreg:$0x4];
	s23 =	simm.s32 $0x7  }
0x26: {  	[tilespmem:s4], [sflag:$0x7] =	stream.linear.gather [hbm4b:s1+s4], $0x2000, $0x38;
	[tilespmem:$0x1A000] =	vst v63  }
0x27: {  	_ =	swait.ge [sflag:s23], $0x2000  }
0x28: {  	[sflag:s23] =	ssyncset.done $0x0  }
0x29: {  	[sflag:s23] =	ssyncadd.s32 $0xFFFFE000  }
0x2a: {  	v2 =	vld.msk [tilespmem:$0x0], $0xf;
	_ =	sdelay $0x4  }
0x2b: {  	v3 =	vshll.u32 v2, $0x6  }
0x2c: {  	v2 =	vand.u32 $0x7, v2;
	v3 =	vand.u32 $0xFFFFFE00, v3  }
0x2d: {  	v2 =	vor.u32 v2, v3  }
0x2e: {  	v2 =	vperm.xlane v2, v0;
	_ =	sdelay $0x1  }
0x2f: {  	v2 =	vadd.s32 v1, v2;
	_ =	sdelay $0x4  }
0x30: {  	[tilespmem:s3], [sflag:$0x1] =	stream.indirect_vreg.gather [hbm4b:s2+s4], $0x80, v2, vm0, $0xb8;
	[tilespmem:$0x1A000] =	vst v63  }
0x31: {  	s24 =	simm.s32 $0x2800  }
0x32: {  	[tilespmem:s24], [sflag:$0x1] =	stream.indirect_vreg.gather [hbm4b:s6+s4], $0x80, v2, vm0, $0xb8;
	[tilespmem:$0x1A000] =	vst v63  }
0x33: {  	s25 =	simm.s32 $0x3000  }
0x34: {  	[tilespmem:s25], [sflag:$0x1] =	stream.indirect_vreg.gather [hbm4b:s7+s4], $0x80, v2, vm0, $0xb8;
	[tilespmem:$0x1A000] =	vst v63  }
0x35: {  	s30 =	simm.s32 $0x3800  }
0x36: {  	[tilespmem:s30], [sflag:$0x1] =	stream.indirect_vreg.gather [hbm4b:s8+s4], $0x80, v2, vm0, $0xb8;
	[tilespmem:$0x1A000] =	vst v63  }
0x37: {  	s31 =	simm.s32 $0x4000  }
0x38: {  	[tilespmem:s31], [sflag:$0x1] =	stream.indirect_vreg.gather [hbm4b:s9+s4], $0x80, v2, vm0, $0xb8;
	[tilespmem:$0x1A000] =	vst v63  }
0x39: {  	s0 =	simm.s32 $0x4800  }
0x3a: {  	[tilespmem:s0], [sflag:$0x1] =	stream.indirect_vreg.gather [hbm4b:s10+s4], $0x80, v2, vm0, $0xb8;
	[tilespmem:$0x1A000] =	vst v63  }
0x3b: {  	s3 =	simm.s32 $0x5000  }
0x3c: {  	[tilespmem:s3], [sflag:$0x1] =	stream.indirect_vreg.gather [hbm4b:s11+s4], $0x80, v2, vm0, $0xb8;
	[tilespmem:$0x1A000] =	vst v63  }
0x3d: {  	s21 =	simm.s32 $0x5800  }
0x3e: {  	[tilespmem:s21], [sflag:$0x1] =	stream.indirect_vreg.gather [hbm4b:s12+s4], $0x80, v2, vm0, $0xb8;
	[tilespmem:$0x1A000] =	vst v63  }
0x3f: {  	s23 =	simm.s32 $0x6000  }
0x40: {  	[tilespmem:s23], [sflag:$0x1] =	stream.indirect_vreg.gather [hbm4b:s13+s4], $0x80, v2, vm0, $0xb8;
	[tilespmem:$0x1A000] =	vst v63  }
0x41: {  	s24 =	simm.s32 $0x6800  }
0x42: {  	[tilespmem:s24], [sflag:$0x1] =	stream.indirect_vreg.gather [hbm4b:s14+s4], $0x80, v2, vm0, $0xb8;
	[tilespmem:$0x1A000] =	vst v63  }
0x43: {  	s25 =	simm.s32 $0x7000  }
0x44: {  	[tilespmem:s25], [sflag:$0x1] =	stream.indirect_vreg.gather [hbm4b:s15+s4], $0x80, v2, vm0, $0xb8;
	[tilespmem:$0x1A000] =	vst v63  }
0x45: {  	s30 =	simm.s32 $0x7800  }
0x46: {  	[tilespmem:s30], [sflag:$0x1] =	stream.indirect_vreg.gather [hbm4b:s16+s4], $0x80, v2, vm0, $0xb8;
	[tilespmem:$0x1A000] =	vst v63  }
0x47: {  	s31 =	simm.s32 $0x8000  }
0x48: {  	[tilespmem:s31], [sflag:$0x1] =	stream.indirect_vreg.gather [hbm4b:s17+s4], $0x80, v2, vm0, $0xb8;
	[tilespmem:$0x1A000] =	vst v63  }
0x49: {  	s0 =	simm.s32 $0x8800  }
0x4a: {  	[tilespmem:s0], [sflag:$0x1] =	stream.indirect_vreg.gather [hbm4b:s18+s4], $0x80, v2, vm0, $0xb8;
	[tilespmem:$0x1A000] =	vst v63  }
0x4b: {  	s3 =	simm.s32 $0x9000  }
0x4c: {  	[tilespmem:s3], [sflag:$0x1] =	stream.indirect_vreg.gather [hbm4b:s19+s4], $0x80, v2, vm0, $0xb8;
	[tilespmem:$0x1A000] =	vst v63  }
0x4d: {  	s21 =	simm.s32 $0x9800  }
0x4e: {  	[tilespmem:s21], [sflag:$0x1] =	stream.indirect_vreg.gather [hbm4b:s20+s4], $0x80, v2, vm0, $0xb8;
	[tilespmem:$0x1A000] =	vst v63  }
0x4f: {  	v2 =	vld.msk [tilespmem:$0x80], $0xf;
	_ =	sdelay $0x4  }
0x50: {  	v3 =	vshll.u32 v2, $0x6  }
0x51: {  	v2 =	vand.u32 $0x7, v2;
	v3 =	vand.u32 $0xFFFFFE00, v3  }
0x52: {  	v2 =	vor.u32 v2, v3  }
0x53: {  	v2 =	vperm.xlane v2, v0;
	_ =	sdelay $0x1  }
0x54: {  	v2 =	vadd.s32 v1, v2;
	_ =	sdelay $0x4  }
0x55: {  	[tilespmem:s5], [sflag:$0x2] =	stream.indirect_vreg.gather [hbm4b:s2+s4], $0x80, v2, vm0, $0xb8;
	[tilespmem:$0x1A000] =	vst v63  }
0x56: {  	s0 =	simm.s32 $0xA800  }
0x57: {  	[tilespmem:s0], [sflag:$0x2] =	stream.indirect_vreg.gather [hbm4b:s6+s4], $0x80, v2, vm0, $0xb8;
	[tilespmem:$0x1A000] =	vst v63  }
0x58: {  	s23 =	simm.s32 $0xB000  }
0x59: {  	[tilespmem:s23], [sflag:$0x2] =	stream.indirect_vreg.gather [hbm4b:s7+s4], $0x80, v2, vm0, $0xb8;
	[tilespmem:$0x1A000] =	vst v63  }
0x5a: {  	s24 =	simm.s32 $0xB800  }
0x5b: {  	[tilespmem:s24], [sflag:$0x2] =	stream.indirect_vreg.gather [hbm4b:s8+s4], $0x80, v2, vm0, $0xb8;
	[tilespmem:$0x1A000] =	vst v63  }
0x5c: {  	s25 =	simm.s32 $0xC000  }
0x5d: {  	[tilespmem:s25], [sflag:$0x2] =	stream.indirect_vreg.gather [hbm4b:s9+s4], $0x80, v2, vm0, $0xb8;
	[tilespmem:$0x1A000] =	vst v63  }
0x5e: {  	s30 =	simm.s32 $0xC800  }
0x5f: {  	[tilespmem:s30], [sflag:$0x2] =	stream.indirect_vreg.gather [hbm4b:s10+s4], $0x80, v2, vm0, $0xb8;
	[tilespmem:$0x1A000] =	vst v63  }
0x60: {  	s31 =	simm.s32 $0xD000  }
0x61: {  	[tilespmem:s31], [sflag:$0x2] =	stream.indirect_vreg.gather [hbm4b:s11+s4], $0x80, v2, vm0, $0xb8;
	[tilespmem:$0x1A000] =	vst v63  }
0x62: {  	s1 =	simm.s32 $0xD800  }
0x63: {  	[tilespmem:s1], [sflag:$0x2] =	stream.indirect_vreg.gather [hbm4b:s12+s4], $0x80, v2, vm0, $0xb8;
	[tilespmem:$0x1A000] =	vst v63  }
0x64: {  	s3 =	simm.s32 $0xE000  }
0x65: {  	[tilespmem:s3], [sflag:$0x2] =	stream.indirect_vreg.gather [hbm4b:s13+s4], $0x80, v2, vm0, $0xb8;
	[tilespmem:$0x1A000] =	vst v63  }
0x66: {  	s5 =	simm.s32 $0xE800  }
0x67: {  	[tilespmem:s5], [sflag:$0x2] =	stream.indirect_vreg.gather [hbm4b:s14+s4], $0x80, v2, vm0, $0xb8;
	[tilespmem:$0x1A000] =	vst v63  }
0x68: {  	s21 =	simm.s32 $0xF000  }
0x69: {  	[tilespmem:s21], [sflag:$0x2] =	stream.indirect_vreg.gather [hbm4b:s15+s4], $0x80, v2, vm0, $0xb8;
	[tilespmem:$0x1A000] =	vst v63  }
0x6a: {  	s23 =	simm.s32 $0xF800  }
0x6b: {  	[tilespmem:s23], [sflag:$0x2] =	stream.indirect_vreg.gather [hbm4b:s16+s4], $0x80, v2, vm0, $0xb8;
	[tilespmem:$0x1A000] =	vst v63  }
0x6c: {  	s24 =	simm.s32 $0x10000  }
0x6d: {  	[tilespmem:s24], [sflag:$0x2] =	stream.indirect_vreg.gather [hbm4b:s17+s4], $0x80, v2, vm0, $0xb8;
	[tilespmem:$0x1A000] =	vst v63  }
0x6e: {  	s29 =	simm.s32 $0x40;
	s25 =	simm.s32 $0x10800  }
0x6f: {  	[tilespmem:s25], [sflag:$0x2] =	stream.indirect_vreg.gather [hbm4b:s18+s4], $0x80, v2, vm0, $0xb8;
	[tilespmem:$0x1A000] =	vst v63  }
0x70: {  	s28 =	simm.s32 $0x200;
	s0 =	simm.s32 $0xA000;
	s30 =	simm.s32 $0x11000  }
0x71: {  	[tilespmem:s30], [sflag:$0x2] =	stream.indirect_vreg.gather [hbm4b:s19+s4], $0x80, v2, vm0, $0xb8;
	[tilespmem:$0x1A000] =	vst v63  }
0x72: {  	s31 =	simm.s32 $0x11800;
	s3 =	simm.s32 $0x0;
	s23 =	simm.s32 $0x0  }
0x73: {  	[tilespmem:s31], [sflag:$0x2] =	stream.indirect_vreg.gather [hbm4b:s20+s4], $0x80, v2, vm0, $0xb8;
	[tilespmem:$0x1A000] =	vst v63  }
.LBB2_2:
0x74: {  	s30 =	simm.s32 $0x1  }
0x75: {  	_ =	swait.ge [sflag:s30], $0x8000  }
0x76: {  	s1 =	rddreg [dreg:$0x7];
	[sflag:s30] =	ssyncset.done $0x0  }
0x77: {  	s31 =	sand.u32 $0x40, s23;
	s25 =	sadd.s32 s3, s1;
	s24 =	rddreg [dreg:$0x2]  }
0x78: {  	p0 =	seq.s32 s3, $0x0;
	s5 =	sand.u32 $0xFFE000, s25;
	s31 =	sadd.s32 s24, s31  }
0x79: {  	[sflag:s30] =	ssyncadd.s32 $0xFFFF8000;
	s30 =	simm.s32 $0x2000;
	s5 =	sadd.s32 s5, s31  }
0x7a: {  	[hbm4b:s5+s22] =	stream.strided.scatter [tilespmem:s30], [sflag:$0x4], $0x8000, s26, s22, $0x38;
	[tilespmem:$0x1A000] =	vst v63  }
0x7b: {  	s5 =	simm.s32 @!p0 $0x6  }
0x7c: {  	_ =	swait.ge @!p0 [sflag:s5], $0x8000  }
0x7d: {  	[sflag:s5] =	ssyncset.done @!p0 $0x0  }
0x7e: {  	[sflag:s5] =	ssyncadd.s32 @!p0 $0xFFFF8000  }
0x7f: {  	v2 =	vld.msk [tilespmem:s28+$0xFFFFFF00], $0xf;
	_ =	sdelay $0x4  }
0x80: {  	v3 =	vshll.u32 v2, $0x6  }
0x81: {  	v2 =	vand.u32 $0x7, v2;
	v3 =	vand.u32 $0xFFFFFE00, v3  }
0x82: {  	v2 =	vor.u32 v2, v3  }
0x83: {  	v2 =	vperm.xlane v2, v0;
	_ =	sdelay $0x1  }
0x84: {  	v2 =	vadd.s32 v1, v2;
	_ =	sdelay $0x3  }
0x85: {  	s5 =	simm.s32 $0x12000  }
0x86: {  	[tilespmem:s5], [sflag:$0x3] =	stream.indirect_vreg.gather [hbm4b:s2+s4], $0x80, v2, vm0, $0xb8;
	[tilespmem:$0x1A000] =	vst v63  }
0x87: {  	s21 =	simm.s32 $0x12800  }
0x88: {  	[tilespmem:s21], [sflag:$0x3] =	stream.indirect_vreg.gather [hbm4b:s6+s4], $0x80, v2, vm0, $0xb8;
	[tilespmem:$0x1A000] =	vst v63  }
0x89: {  	s5 =	simm.s32 $0x13000  }
0x8a: {  	[tilespmem:s5], [sflag:$0x3] =	stream.indirect_vreg.gather [hbm4b:s7+s4], $0x80, v2, vm0, $0xb8;
	[tilespmem:$0x1A000] =	vst v63  }
0x8b: {  	s21 =	simm.s32 $0x13800  }
0x8c: {  	[tilespmem:s21], [sflag:$0x3] =	stream.indirect_vreg.gather [hbm4b:s8+s4], $0x80, v2, vm0, $0xb8;
	[tilespmem:$0x1A000] =	vst v63  }
0x8d: {  	s5 =	simm.s32 $0x14000  }
0x8e: {  	[tilespmem:s5], [sflag:$0x3] =	stream.indirect_vreg.gather [hbm4b:s9+s4], $0x80, v2, vm0, $0xb8;
	[tilespmem:$0x1A000] =	vst v63  }
0x8f: {  	s21 =	simm.s32 $0x14800  }
0x90: {  	[tilespmem:s21], [sflag:$0x3] =	stream.indirect_vreg.gather [hbm4b:s10+s4], $0x80, v2, vm0, $0xb8;
	[tilespmem:$0x1A000] =	vst v63  }
0x91: {  	s5 =	simm.s32 $0x15000  }
0x92: {  	[tilespmem:s5], [sflag:$0x3] =	stream.indirect_vreg.gather [hbm4b:s11+s4], $0x80, v2, vm0, $0xb8;
	[tilespmem:$0x1A000] =	vst v63  }
0x93: {  	s21 =	simm.s32 $0x15800  }
0x94: {  	[tilespmem:s21], [sflag:$0x3] =	stream.indirect_vreg.gather [hbm4b:s12+s4], $0x80, v2, vm0, $0xb8;
	[tilespmem:$0x1A000] =	vst v63  }
0x95: {  	s5 =	simm.s32 $0x16000  }
0x96: {  	[tilespmem:s5], [sflag:$0x3] =	stream.indirect_vreg.gather [hbm4b:s13+s4], $0x80, v2, vm0, $0xb8;
	[tilespmem:$0x1A000] =	vst v63  }
0x97: {  	s21 =	simm.s32 $0x16800  }
0x98: {  	[tilespmem:s21], [sflag:$0x3] =	stream.indirect_vreg.gather [hbm4b:s14+s4], $0x80, v2, vm0, $0xb8;
	[tilespmem:$0x1A000] =	vst v63  }
0x99: {  	s5 =	simm.s32 $0x17000  }
0x9a: {  	[tilespmem:s5], [sflag:$0x3] =	stream.indirect_vreg.gather [hbm4b:s15+s4], $0x80, v2, vm0, $0xb8;
	[tilespmem:$0x1A000] =	vst v63  }
0x9b: {  	s21 =	simm.s32 $0x17800  }
0x9c: {  	[tilespmem:s21], [sflag:$0x3] =	stream.indirect_vreg.gather [hbm4b:s16+s4], $0x80, v2, vm0, $0xb8;
	[tilespmem:$0x1A000] =	vst v63  }
0x9d: {  	s5 =	simm.s32 $0x18000  }
0x9e: {  	[tilespmem:s5], [sflag:$0x3] =	stream.indirect_vreg.gather [hbm4b:s17+s4], $0x80, v2, vm0, $0xb8;
	[tilespmem:$0x1A000] =	vst v63  }
0x9f: {  	s21 =	simm.s32 $0x18800  }
0xa0: {  	[tilespmem:s21], [sflag:$0x3] =	stream.indirect_vreg.gather [hbm4b:s18+s4], $0x80, v2, vm0, $0xb8;
	[tilespmem:$0x1A000] =	vst v63  }
0xa1: {  	s5 =	simm.s32 $0x19000  }
0xa2: {  	[tilespmem:s5], [sflag:$0x3] =	stream.indirect_vreg.gather [hbm4b:s19+s4], $0x80, v2, vm0, $0xb8;
	[tilespmem:$0x1A000] =	vst v63  }
0xa3: {  	s21 =	simm.s32 $0x19800  }
0xa4: {  	[tilespmem:s21], [sflag:$0x3] =	stream.indirect_vreg.gather [hbm4b:s20+s4], $0x80, v2, vm0, $0xb8;
	[tilespmem:$0x1A000] =	vst v63  }
0xa5: {  	s1 =	smov.u32 s2;
	s21 =	smov.u32 s20  }
0xa6: {  	s20 =	smov.u32 s19;
	s19 =	smov.u32 s18;
	s18 =	smov.u32 s17  }
0xa7: {  	s17 =	smov.u32 s16;
	s16 =	smov.u32 s15;
	s15 =	smov.u32 s14  }
0xa8: {  	s14 =	smov.u32 s13;
	s13 =	smov.u32 s12;
	s12 =	smov.u32 s11  }
0xa9: {  	s11 =	smov.u32 s10;
	s10 =	smov.u32 s9;
	s9 =	smov.u32 s8  }
0xaa: {  	s8 =	smov.u32 s7;
	s7 =	smov.u32 s6;
	s6 =	simm.s32 $0x2  }
0xab: {  	s2 =	sand.u32 $0x40, s29;
	s5 =	sadd.s32 $0x1000, s25;
	_ =	swait.ge [sflag:s6], $0x8000  }
0xac: {  	s2 =	sadd.s32 s24, s2;
	s5 =	sand.u32 $0xFFE000, s5;
	[sflag:s6] =	ssyncset.done $0x0  }
0xad: {  	s24 =	simm.s32 $0x4;
	s2 =	sadd.s32 s5, s2;
	[sflag:s6] =	ssyncadd.s32 $0xFFFF8000  }
0xae: {  	[hbm4b:s2+s22] =	stream.strided.scatter [tilespmem:s0], [sflag:$0x5], $0x8000, s26, s22, $0x38;
	[tilespmem:$0x1A000] =	vst v63  }
0xaf: {  	_ =	swait.ge [sflag:s24], $0x8000  }
0xb0: {  	[sflag:s24] =	ssyncset.done $0x0  }
0xb1: {  	[sflag:s24] =	ssyncadd.s32 $0xFFFF8000  }
0xb2: {  	v2 =	vld.msk [tilespmem:s28+$0xFFFFFF80], $0xf;
	_ =	sdelay $0x4  }
0xb3: {  	v3 =	vshll.u32 v2, $0x6  }
0xb4: {  	v2 =	vand.u32 $0x7, v2;
	v3 =	vand.u32 $0xFFFFFE00, v3  }
0xb5: {  	v2 =	vor.u32 v2, v3  }
0xb6: {  	v2 =	vperm.xlane v2, v0;
	_ =	sdelay $0x1  }
0xb7: {  	v2 =	vadd.s32 v1, v2;
	_ =	sdelay $0x4  }
0xb8: {  	[tilespmem:s30], [sflag:$0x1] =	stream.indirect_vreg.gather [hbm4b:s1+s4], $0x80, v2, vm0, $0xb8;
	[tilespmem:$0x1A000] =	vst v63  }
0xb9: {  	s6 =	smov.u32 s7;
	s30 =	simm.s32 $0x2800  }
0xba: {  	[tilespmem:s30], [sflag:$0x1] =	stream.indirect_vreg.gather [hbm4b:s6+s4], $0x80, v2, vm0, $0xb8;
	[tilespmem:$0x1A000] =	vst v63  }
0xbb: {  	s7 =	smov.u32 s8;
	s0 =	simm.s32 $0x3000  }
0xbc: {  	[tilespmem:s0], [sflag:$0x1] =	stream.indirect_vreg.gather [hbm4b:s7+s4], $0x80, v2, vm0, $0xb8;
	[tilespmem:$0x1A000] =	vst v63  }
0xbd: {  	s5 =	simm.s32 $0x3800;
	s8 =	smov.u32 s9  }
0xbe: {  	[tilespmem:s5], [sflag:$0x1] =	stream.indirect_vreg.gather [hbm4b:s8+s4], $0x80, v2, vm0, $0xb8;
	[tilespmem:$0x1A000] =	vst v63  }
0xbf: {  	s9 =	smov.u32 s10;
	s24 =	simm.s32 $0x4000  }
0xc0: {  	[tilespmem:s24], [sflag:$0x1] =	stream.indirect_vreg.gather [hbm4b:s9+s4], $0x80, v2, vm0, $0xb8;
	[tilespmem:$0x1A000] =	vst v63  }
0xc1: {  	s10 =	smov.u32 s11;
	s30 =	simm.s32 $0x4800  }
0xc2: {  	[tilespmem:s30], [sflag:$0x1] =	stream.indirect_vreg.gather [hbm4b:s10+s4], $0x80, v2, vm0, $0xb8;
	[tilespmem:$0x1A000] =	vst v63  }
0xc3: {  	s11 =	smov.u32 s12;
	s0 =	simm.s32 $0x5000  }
0xc4: {  	[tilespmem:s0], [sflag:$0x1] =	stream.indirect_vreg.gather [hbm4b:s11+s4], $0x80, v2, vm0, $0xb8;
	[tilespmem:$0x1A000] =	vst v63  }
0xc5: {  	s12 =	smov.u32 s13;
	s5 =	simm.s32 $0x5800  }
0xc6: {  	[tilespmem:s5], [sflag:$0x1] =	stream.indirect_vreg.gather [hbm4b:s12+s4], $0x80, v2, vm0, $0xb8;
	[tilespmem:$0x1A000] =	vst v63  }
0xc7: {  	s13 =	smov.u32 s14;
	s24 =	simm.s32 $0x6000  }
0xc8: {  	[tilespmem:s24], [sflag:$0x1] =	stream.indirect_vreg.gather [hbm4b:s13+s4], $0x80, v2, vm0, $0xb8;
	[tilespmem:$0x1A000] =	vst v63  }
0xc9: {  	s14 =	smov.u32 s15;
	s30 =	simm.s32 $0x6800  }
0xca: {  	[tilespmem:s30], [sflag:$0x1] =	stream.indirect_vreg.gather [hbm4b:s14+s4], $0x80, v2, vm0, $0xb8;
	[tilespmem:$0x1A000] =	vst v63  }
0xcb: {  	s15 =	smov.u32 s16;
	s0 =	simm.s32 $0x7000  }
0xcc: {  	[tilespmem:s0], [sflag:$0x1] =	stream.indirect_vreg.gather [hbm4b:s15+s4], $0x80, v2, vm0, $0xb8;
	[tilespmem:$0x1A000] =	vst v63  }
0xcd: {  	s16 =	smov.u32 s17;
	s5 =	simm.s32 $0x7800  }
0xce: {  	[tilespmem:s5], [sflag:$0x1] =	stream.indirect_vreg.gather [hbm4b:s16+s4], $0x80, v2, vm0, $0xb8;
	[tilespmem:$0x1A000] =	vst v63  }
0xcf: {  	s17 =	smov.u32 s18;
	s24 =	simm.s32 $0x8000  }
0xd0: {  	[tilespmem:s24], [sflag:$0x1] =	stream.indirect_vreg.gather [hbm4b:s17+s4], $0x80, v2, vm0, $0xb8;
	[tilespmem:$0x1A000] =	vst v63  }
0xd1: {  	s18 =	smov.u32 s19;
	s30 =	simm.s32 $0x8800  }
0xd2: {  	[tilespmem:s30], [sflag:$0x1] =	stream.indirect_vreg.gather [hbm4b:s18+s4], $0x80, v2, vm0, $0xb8;
	[tilespmem:$0x1A000] =	vst v63  }
0xd3: {  	s19 =	smov.u32 s20;
	s0 =	simm.s32 $0x9000  }
0xd4: {  	[tilespmem:s0], [sflag:$0x1] =	stream.indirect_vreg.gather [hbm4b:s19+s4], $0x80, v2, vm0, $0xb8;
	[tilespmem:$0x1A000] =	vst v63  }
0xd5: {  	s25 =	sadd.s32 $0x2000, s25;
	s5 =	simm.s32 $0x9800;
	s24 =	simm.s32 $0x3  }
0xd6: {  	[tilespmem:s5], [sflag:$0x1] =	stream.indirect_vreg.gather [hbm4b:s21+s4], $0x80, v2, vm0, $0xb8;
	[tilespmem:$0x1A000] =	vst v63  }
0xd7: {  	p0 =	seq.s32 s3, $0x3C000;
	s2 =	sand.u32 $0xFFE000, s25;
	_ =	swait.ge [sflag:s24], $0x8000  }
0xd8: {  	s2 =	sadd.s32 s2, s31;
	s31 =	simm.s32 $0x5;
	[sflag:s24] =	ssyncset.done $0x0  }
.Ltmp2:
0xd9: {  	s30 =	simm.s32 $0x12000;
	[sflag:s24] =	ssyncadd.s32 $0xFFFF8000;
	(pc) =	sbr.rel @p0 .LBB2_4-.Ltmp2, $4  }
0xda: {  	[hbm4b:s2+s22] =	stream.strided.scatter [tilespmem:s30], [sflag:$0x6], $0x8000, s26, s22, $0x38;
	[tilespmem:$0x1A000] =	vst v63  }
0xdb: {  	_ =	swait.ge [sflag:s31], $0x8000  }
0xdc: {  	s20 =	smov.u32 s21;
	s25 =	simm.s32 $0x400;
	[sflag:s31] =	ssyncset.done $0x0  }
0xdd: {  	s5 =	simm.s32 $0xA000;
	s24 =	simm.s32 $0x200;
	[sflag:s31] =	ssyncadd.s32 $0xFFFF8000  }
0xde: {  	v2 =	vld.msk [tilespmem:s28+$0x0], $0xf;
	_ =	sdelay $0x4  }
0xdf: {  	v3 =	vshll.u32 v2, $0x6  }
0xe0: {  	v2 =	vand.u32 $0x7, v2;
	v3 =	vand.u32 $0xFFFFFE00, v3  }
0xe1: {  	v2 =	vor.u32 v2, v3  }
0xe2: {  	v2 =	vperm.xlane v2, v0;
	_ =	sdelay $0x1  }
0xe3: {  	v2 =	vadd.s32 v1, v2;
	_ =	sdelay $0x4  }
0xe4: {  	[tilespmem:s5], [sflag:$0x2] =	stream.indirect_vreg.gather [hbm4b:s1+s4], $0x80, v2, vm0, $0xb8;
	[tilespmem:$0x1A000] =	vst v63  }
0xe5: {  	s0 =	simm.s32 $0xA800  }
0xe6: {  	[tilespmem:s0], [sflag:$0x2] =	stream.indirect_vreg.gather [hbm4b:s6+s4], $0x80, v2, vm0, $0xb8;
	[tilespmem:$0x1A000] =	vst v63  }
0xe7: {  	s2 =	simm.s32 $0xB000  }
0xe8: {  	[tilespmem:s2], [sflag:$0x2] =	stream.indirect_vreg.gather [hbm4b:s7+s4], $0x80, v2, vm0, $0xb8;
	[tilespmem:$0x1A000] =	vst v63  }
0xe9: {  	s5 =	simm.s32 $0xB800  }
0xea: {  	[tilespmem:s5], [sflag:$0x2] =	stream.indirect_vreg.gather [hbm4b:s8+s4], $0x80, v2, vm0, $0xb8;
	[tilespmem:$0x1A000] =	vst v63  }
0xeb: {  	s21 =	simm.s32 $0xC000  }
0xec: {  	[tilespmem:s21], [sflag:$0x2] =	stream.indirect_vreg.gather [hbm4b:s9+s4], $0x80, v2, vm0, $0xb8;
	[tilespmem:$0x1A000] =	vst v63  }
0xed: {  	s24 =	simm.s32 $0xC800  }
0xee: {  	[tilespmem:s24], [sflag:$0x2] =	stream.indirect_vreg.gather [hbm4b:s10+s4], $0x80, v2, vm0, $0xb8;
	[tilespmem:$0x1A000] =	vst v63  }
0xef: {  	s25 =	simm.s32 $0xD000  }
0xf0: {  	[tilespmem:s25], [sflag:$0x2] =	stream.indirect_vreg.gather [hbm4b:s11+s4], $0x80, v2, vm0, $0xb8;
	[tilespmem:$0x1A000] =	vst v63  }
0xf1: {  	s30 =	simm.s32 $0xD800  }
0xf2: {  	[tilespmem:s30], [sflag:$0x2] =	stream.indirect_vreg.gather [hbm4b:s12+s4], $0x80, v2, vm0, $0xb8;
	[tilespmem:$0x1A000] =	vst v63  }
0xf3: {  	s31 =	simm.s32 $0xE000  }
0xf4: {  	[tilespmem:s31], [sflag:$0x2] =	stream.indirect_vreg.gather [hbm4b:s13+s4], $0x80, v2, vm0, $0xb8;
	[tilespmem:$0x1A000] =	vst v63  }
0xf5: {  	s2 =	simm.s32 $0xE800  }
0xf6: {  	[tilespmem:s2], [sflag:$0x2] =	stream.indirect_vreg.gather [hbm4b:s14+s4], $0x80, v2, vm0, $0xb8;
	[tilespmem:$0x1A000] =	vst v63  }
0xf7: {  	s5 =	simm.s32 $0xF000  }
0xf8: {  	[tilespmem:s5], [sflag:$0x2] =	stream.indirect_vreg.gather [hbm4b:s15+s4], $0x80, v2, vm0, $0xb8;
	[tilespmem:$0x1A000] =	vst v63  }
0xf9: {  	s21 =	simm.s32 $0xF800  }
0xfa: {  	[tilespmem:s21], [sflag:$0x2] =	stream.indirect_vreg.gather [hbm4b:s16+s4], $0x80, v2, vm0, $0xb8;
	[tilespmem:$0x1A000] =	vst v63  }
0xfb: {  	s24 =	simm.s32 $0x10000  }
0xfc: {  	[tilespmem:s24], [sflag:$0x2] =	stream.indirect_vreg.gather [hbm4b:s17+s4], $0x80, v2, vm0, $0xb8;
	[tilespmem:$0x1A000] =	vst v63  }
0xfd: {  	s25 =	simm.s32 $0x10800  }
0xfe: {  	[tilespmem:s25], [sflag:$0x2] =	stream.indirect_vreg.gather [hbm4b:s18+s4], $0x80, v2, vm0, $0xb8;
	[tilespmem:$0x1A000] =	vst v63  }
.Ltmp3:
0xff: {  	s23 =	sadd.s32 $0x40, s23;
	s3 =	sadd.s32 $0x3000, s3;
	(pc) =	sbr.rel .LBB2_2-.Ltmp3, $4  }
0x100: {  	s29 =	sadd.s32 $0xC0, s29;
	s28 =	sadd.s32 $0x180, s28;
	s30 =	simm.s32 $0x11000  }
0x101: {  	[tilespmem:s30], [sflag:$0x2] =	stream.indirect_vreg.gather [hbm4b:s19+s4], $0x80, v2, vm0, $0xb8;
	[tilespmem:$0x1A000] =	vst v63  }
0x102: {  	s0 =	simm.s32 $0xA000;
	s31 =	simm.s32 $0x11800;
	s2 =	smov.u32 s1  }
0x103: {  	[tilespmem:s31], [sflag:$0x2] =	stream.indirect_vreg.gather [hbm4b:s20+s4], $0x80, v2, vm0, $0xb8;
	[tilespmem:$0x1A000] =	vst v63  }
.LBB2_5:
0x104: {  	_ =	sfence.sel $0x180000  }
0x105: {  	[bflag:$0x0] =	sbarrier.arrive $0xFFFF  }
0x106: {  	_ =	strace $0x90000047  }
0x107: {  	s0 =	stileid.u32;
	[bflag:$0x2] =	sbarrier.arrive $0xFFFF  }
0x108: {  	p0 =	sne.s32 s0, $0x0;
	s0 =	rddreg [dreg:$0x3]  }
0x109: {  	s0 =	sadd.s32 @!p0 $0x100000, s0  }
0x10a: {  	[sflag:s0] =	ssyncadd.tile.s32 @!p0 $0x1;
	_ =	shalt  }
.Lfunc_end2:
_tile_overlayer_lowered:
.L_overlay_start_2:
0x10b: {  	(tag) =	ssettag $0x2  }
0x10c: {  	s0 =	rddreg [dreg:$0x0];
	s2 =	stileid.u32  }
0x10d: {  	s1 =	rddreg [dreg:$0x1];
	p0 =	sne.s32 s2, $0x0  }
0x10e: {  	s3 =	rddreg [dreg:$0x2];
	[bflag:$0x3] =	sbarrier.arrive $0xFFFF;
	s2 =	simm.s32 @!p0 $0x1C07  }
0x10f: {  	[timem:s3], [sflag:s2] =	dma.local @!p0 [hbm:s0], s1  }
0x110: {  	s0 =	simm.s32 @!p0 $0x7  }
0x111: {  	_ =	swait.ge @!p0 [sflag:s0], s1  }
0x112: {  	s1 =	ssub.s32 @!p0 $0x0, s1;
	[sflag:s0] =	ssyncset.done @!p0 $0x0  }
0x113: {  	[sflag:s0] =	ssyncadd.s32 @!p0 s1  }
0x114: {  	[bflag:$0x3] =	sbarrier.arrive $0xFFFF  }
0x115: {  	_ =	shalt  }

</sc_bundles>
